<compile_context>
chip_gen: v7x
topology: tpu7x:2x2x1
jax: 0.10.2.dev20260603
libtpu: 0.0.44.dev20260713+nightly
codegen_flags: <defaults>
</compile_context>

<pallas_src>
import jax
import jax.numpy as jnp
from jax import lax
from jax.experimental import pallas as pl
from jax.experimental.pallas import tpu as pltpu
from jax.experimental.pallas import tpu_sc as plsc

_D = 64
_NC, _NS = 2, 16
_NW = _NC * _NS
_GB = 8
_NB = 4
_HP = 56
_DP = 128


def _embed_body(idx_hbm, table_hbm, out_hbm, idx_v, *rest):
    bufs = rest[:_NB]
    gsems = rest[_NB:2 * _NB]
    wsems = rest[2 * _NB:3 * _NB]
    wid = lax.axis_index("s") * _NC + lax.axis_index("c")
    bpw = idx_v.shape[0]
    hist = idx_v.shape[1]
    ngrp = bpw // _GB
    base_b = wid * bpw
    pltpu.sync_copy(idx_hbm.at[pl.ds(base_b, bpw)], idx_v)

    def fire(g, b):
        for k in range(_GB):
            pltpu.async_copy(table_hbm.at[idx_v.at[g * _GB + k]],
                             bufs[b].at[k], gsems[b])

    def drain_gathers(b):
        pltpu.make_async_copy(out_hbm.at[pl.ds(0, _GB),
                                         pl.ds(0, hist), pl.ds(0, _D)],
                              bufs[b], gsems[b]).wait()

    def fire_write(g, b):
        pltpu.async_copy(bufs[b],
                         out_hbm.at[pl.ds(base_b + g * _GB, _GB),
                                    pl.ds(0, hist), pl.ds(0, _D)], wsems[b])

    def wait_write(b):
        pltpu.make_async_copy(out_hbm.at[pl.ds(0, _GB),
                                         pl.ds(0, hist), pl.ds(0, _D)],
                              bufs[b], wsems[b]).wait()

    for g in range(_NB - 1):
        fire(g, g)

    def step(i, carry):
        for b in range(_NB):
            g = _NB * i + b
            drain_gathers(b)
            fire_write(g, b)
            j = g + _NB - 1
            jb = (_NB - 1 + b) % _NB
            @pl.when(j < ngrp)
            def _():
                @pl.when(j >= _NB)
                def _():
                    wait_write(jb)
                fire(j, jb)
        return carry

    lax.fori_loop(0, ngrp // _NB, step, 0)
    for b in range(_NB):
        wait_write(b)


def kernel(x, embed_mat):
    b, h = x.shape
    bpw = b // _NW
    mesh = plsc.VectorSubcoreMesh(core_axis_name="c", subcore_axis_name="s",
                                  num_cores=_NC, num_subcores=_NS)
    y3 = pl.kernel(
        _embed_body,
        out_type=jax.ShapeDtypeStruct((b, _HP, _DP), jnp.float32),
        mesh=mesh,
        scratch_types=[
            pltpu.VMEM((bpw, h), jnp.int32),
            *[pltpu.VMEM((_GB, h, _D), jnp.float32) for _ in range(_NB)],
            *[pltpu.SemaphoreType.DMA for _ in range(2 * _NB)],
        ],
        compiler_params=pltpu.CompilerParams(use_tc_tiling_on_sc=False),
    )(x.astype(jnp.int32), embed_mat)
    return y3[:, :h, :_D]

# --- scband reference (transcript-rebuilt; emitter-appended) ---
"""Pipeline reference for scband-embed-layer-45732811767809 (READ-ONLY COPY).

The authoritative reference and input builder live on the scoring server;
editing this copy changes nothing except your own understanding.
"""

import jax, jax.numpy as jnp
import numpy as np

NUM_EMBEDDINGS = 100000
EMBEDDING_DIM = 64
BATCH = 4096
HIST_LEN = 50

def setup_inputs(seed: int = 0) -> dict:
    key = jax.random.key(seed)
    k_idx, k_tab = jax.random.split(key)
    x = jax.random.randint(k_idx, (BATCH, HIST_LEN), 0, NUM_EMBEDDINGS, dtype=jnp.int64) if jax.config.jax_enable_x64 else jax.random.randint(k_idx, (BATCH, HIST_LEN), 0, NUM_EMBEDDINGS, dtype=jnp.int32)
    embed_mat = jax.random.normal(k_tab, (NUM_EMBEDDINGS, EMBEDDING_DIM), dtype=jnp.float32)
    return {"x": x, "embed_mat": embed_mat}

def reference(x, embed_mat):
    # nn.Embedding forward: row gather from the embedding table
    return jnp.take(embed_mat, x, axis=0)

if __name__ == "__main__":
    import jax
    _d = setup_inputs()
    print(jax.jit(kernel)(*tuple(_d.values())))

</pallas_src>

<mosaic_0001>
#map = affine_map<(d0, d1) -> (0, 0)>
#map1 = affine_map<(d0, d1) -> (0, 0, 0)>
module attributes {stable_mosaic.version = 14 : i64} {
  func.func @_embed_body(%arg0: i32, %arg1: i32, %arg2: memref<4096x50xi32, #tpu.memory_space<hbm>>, %arg3: memref<100000x64xf32, #tpu.memory_space<hbm>>, %arg4: memref<4096x56x128xf32, #tpu.memory_space<hbm>>, %arg5: memref<128x50xi32, #tpu.memory_space<vmem>>, %arg6: memref<8x50x64xf32, #tpu.memory_space<vmem>>, %arg7: memref<8x50x64xf32, #tpu.memory_space<vmem>>, %arg8: memref<8x50x64xf32, #tpu.memory_space<vmem>>, %arg9: memref<8x50x64xf32, #tpu.memory_space<vmem>>, %arg10: memref<!tpu.dma_semaphore, #tpu.memory_space<semaphore_mem>>, %arg11: memref<!tpu.dma_semaphore, #tpu.memory_space<semaphore_mem>>, %arg12: memref<!tpu.dma_semaphore, #tpu.memory_space<semaphore_mem>>, %arg13: memref<!tpu.dma_semaphore, #tpu.memory_space<semaphore_mem>>, %arg14: memref<!tpu.dma_semaphore, #tpu.memory_space<semaphore_mem>>, %arg15: memref<!tpu.dma_semaphore, #tpu.memory_space<semaphore_mem>>, %arg16: memref<!tpu.dma_semaphore, #tpu.memory_space<semaphore_mem>>, %arg17: memref<!tpu.dma_semaphore, #tpu.memory_space<semaphore_mem>>) attributes {dimension_semantics = [#tpu.dimension_semantics<core_parallel>, #tpu.dimension_semantics<subcore_parallel>], iteration_bounds = array<i64: 2, 16>, scalar_prefetch = 0 : i64, scratch_operands = 13 : i64, tpu.core_type = #tpu.core_type<sc_vector_subcore>, window_params = [{transform_indices = #map}, {transform_indices = #map}, {transform_indices = #map1}]} {
    %mul3A = arith.constant 2 : i32
    %mul3A_0 = arith.muli %arg1, %mul3A : i32
    %add3A = arith.addi %mul3A_0, %arg0 : i32
    %mul3A_1 = arith.constant 128 : i32
    %mul3A_2 = arith.muli %add3A, %mul3A_1 : i32
    "tpu.region"() ({
      %run_scoped3A = tpu.sem_alloc : memref<!tpu.dma_semaphore, #tpu.memory_space<semaphore_mem>>
      %dma_start3A_326 = arith.constant 0 : i32
      %dma_start3A_327 = tpu.memref_slice %arg2[%mul3A_2, %dma_start3A_326] : memref<4096x50xi32, #tpu.memory_space<hbm>> -> memref<128x50xi32, #tpu.memory_space<hbm>>
      %dma_start3A_328 = arith.constant 0 : i32
      %dma_start3A_329 = tpu.memref_slice %arg2[%mul3A_2, %dma_start3A_328] : memref<4096x50xi32, #tpu.memory_space<hbm>> -> memref<128x50xi32, #tpu.memory_space<hbm>>
      tpu.enqueue_dma source(%dma_start3A_329 : memref<128x50xi32, #tpu.memory_space<hbm>>) target(%arg5 : memref<128x50xi32, #tpu.memory_space<vmem>>) target_semaphore(%run_scoped3A : memref<!tpu.dma_semaphore, #tpu.memory_space<semaphore_mem>>)
      %dma_wait3A_330 = arith.constant 0 : i32
      %dma_wait3A_331 = tpu.memref_slice %arg2[%mul3A_2, %dma_wait3A_330] : memref<4096x50xi32, #tpu.memory_space<hbm>> -> memref<128x50xi32, #tpu.memory_space<hbm>>
      %dma_wait3A_332 = arith.constant 0 : i32
      %dma_wait3A_333 = tpu.memref_slice %arg2[%mul3A_2, %dma_wait3A_332] : memref<4096x50xi32, #tpu.memory_space<hbm>> -> memref<128x50xi32, #tpu.memory_space<hbm>>
      tpu.wait_dma2 semaphore(%run_scoped3A : memref<!tpu.dma_semaphore, #tpu.memory_space<semaphore_mem>>) src(%dma_wait3A_333 : memref<128x50xi32, #tpu.memory_space<hbm>>) dst(%arg5 : memref<128x50xi32, #tpu.memory_space<vmem>>)
      tpu.yield
    }) : () -> ()
    %dma_start3A = arith.constant 0 : i32
    %dma_start3A_3 = arith.constant 0 : i32
    %dma_start3A_4 = arith.constant 0 : i32
    %dma_start3A_5 = arith.constant 0 : i32
    %dma_start3A_6 = tpu.memref_slice %arg6[%dma_start3A_3, %dma_start3A_4, %dma_start3A_5] : memref<8x50x64xf32, #tpu.memory_space<vmem>> -> memref<1x50x64xf32, #tpu.memory_space<vmem>>
    %dma_start3A_7 = tpu.memref_squeeze %dma_start3A_6 : memref<1x50x64xf32, #tpu.memory_space<vmem>> -> memref<50x64xf32, #tpu.memory_space<vmem>>
    %dma_start3A_8 = arith.constant 0 : i32
    %dma_start3A_9 = tpu.memref_slice %arg5[%dma_start3A, %dma_start3A_8] : memref<128x50xi32, #tpu.memory_space<vmem>> -> memref<1x50xi32, #tpu.memory_space<vmem>>
    %dma_start3A_10 = tpu.memref_squeeze %dma_start3A_9 : memref<1x50xi32, #tpu.memory_space<vmem>> -> memref<50xi32, #tpu.memory_space<vmem>>
    %dma_start3A_11 = arith.constant 0 : i32
    %dma_start3A_12 = arith.constant 0 : i32
    %dma_start3A_13 = tpu.memref_slice %arg3[%dma_start3A_11, %dma_start3A_12] : memref<100000x64xf32, #tpu.memory_space<hbm>> -> memref<100000x64xf32, #tpu.memory_space<hbm>>
    tpu.enqueue_indirect_dma source(%dma_start3A_13 : memref<100000x64xf32, #tpu.memory_space<hbm>>) target(%dma_start3A_7 : memref<50x64xf32, #tpu.memory_space<vmem>>) offsets(%dma_start3A_10 : memref<50xi32, #tpu.memory_space<vmem>>) semaphore(%arg10 : memref<!tpu.dma_semaphore, #tpu.memory_space<semaphore_mem>>)
    %dma_start3A_14 = arith.constant 1 : i32
    %dma_start3A_15 = arith.constant 1 : i32
    %dma_start3A_16 = arith.constant 0 : i32
    %dma_start3A_17 = arith.constant 0 : i32
    %dma_start3A_18 = tpu.memref_slice %arg6[%dma_start3A_15, %dma_start3A_16, %dma_start3A_17] : memref<8x50x64xf32, #tpu.memory_space<vmem>> -> memref<1x50x64xf32, #tpu.memory_space<vmem>>
    %dma_start3A_19 = tpu.memref_squeeze %dma_start3A_18 : memref<1x50x64xf32, #tpu.memory_space<vmem>> -> memref<50x64xf32, #tpu.memory_space<vmem>>
    %dma_start3A_20 = arith.constant 0 : i32
    %dma_start3A_21 = tpu.memref_slice %arg5[%dma_start3A_14, %dma_start3A_20] : memref<128x50xi32, #tpu.memory_space<vmem>> -> memref<1x50xi32, #tpu.memory_space<vmem>>
    %dma_start3A_22 = tpu.memref_squeeze %dma_start3A_21 : memref<1x50xi32, #tpu.memory_space<vmem>> -> memref<50xi32, #tpu.memory_space<vmem>>
    %dma_start3A_23 = arith.constant 0 : i32
    %dma_start3A_24 = arith.constant 0 : i32
    %dma_start3A_25 = tpu.memref_slice %arg3[%dma_start3A_23, %dma_start3A_24] : memref<100000x64xf32, #tpu.memory_space<hbm>> -> memref<100000x64xf32, #tpu.memory_space<hbm>>
    tpu.enqueue_indirect_dma source(%dma_start3A_25 : memref<100000x64xf32, #tpu.memory_space<hbm>>) target(%dma_start3A_19 : memref<50x64xf32, #tpu.memory_space<vmem>>) offsets(%dma_start3A_22 : memref<50xi32, #tpu.memory_space<vmem>>) semaphore(%arg10 : memref<!tpu.dma_semaphore, #tpu.memory_space<semaphore_mem>>)
    %dma_start3A_26 = arith.constant 2 : i32
    %dma_start3A_27 = arith.constant 2 : i32
    %dma_start3A_28 = arith.constant 0 : i32
    %dma_start3A_29 = arith.constant 0 : i32
    %dma_start3A_30 = tpu.memref_slice %arg6[%dma_start3A_27, %dma_start3A_28, %dma_start3A_29] : memref<8x50x64xf32, #tpu.memory_space<vmem>> -> memref<1x50x64xf32, #tpu.memory_space<vmem>>
    %dma_start3A_31 = tpu.memref_squeeze %dma_start3A_30 : memref<1x50x64xf32, #tpu.memory_space<vmem>> -> memref<50x64xf32, #tpu.memory_space<vmem>>
    %dma_start3A_32 = arith.constant 0 : i32
    %dma_start3A_33 = tpu.memref_slice %arg5[%dma_start3A_26, %dma_start3A_32] : memref<128x50xi32, #tpu.memory_space<vmem>> -> memref<1x50xi32, #tpu.memory_space<vmem>>
    %dma_start3A_34 = tpu.memref_squeeze %dma_start3A_33 : memref<1x50xi32, #tpu.memory_space<vmem>> -> memref<50xi32, #tpu.memory_space<vmem>>
    %dma_start3A_35 = arith.constant 0 : i32
    %dma_start3A_36 = arith.constant 0 : i32
    %dma_start3A_37 = tpu.memref_slice %arg3[%dma_start3A_35, %dma_start3A_36] : memref<100000x64xf32, #tpu.memory_space<hbm>> -> memref<100000x64xf32, #tpu.memory_space<hbm>>
    tpu.enqueue_indirect_dma source(%dma_start3A_37 : memref<100000x64xf32, #tpu.memory_space<hbm>>) target(%dma_start3A_31 : memref<50x64xf32, #tpu.memory_space<vmem>>) offsets(%dma_start3A_34 : memref<50xi32, #tpu.memory_space<vmem>>) semaphore(%arg10 : memref<!tpu.dma_semaphore, #tpu.memory_space<semaphore_mem>>)
    %dma_start3A_38 = arith.constant 3 : i32
    %dma_start3A_39 = arith.constant 3 : i32
    %dma_start3A_40 = arith.constant 0 : i32
    %dma_start3A_41 = arith.constant 0 : i32
    %dma_start3A_42 = tpu.memref_slice %arg6[%dma_start3A_39, %dma_start3A_40, %dma_start3A_41] : memref<8x50x64xf32, #tpu.memory_space<vmem>> -> memref<1x50x64xf32, #tpu.memory_space<vmem>>
    %dma_start3A_43 = tpu.memref_squeeze %dma_start3A_42 : memref<1x50x64xf32, #tpu.memory_space<vmem>> -> memref<50x64xf32, #tpu.memory_space<vmem>>
    %dma_start3A_44 = arith.constant 0 : i32
    %dma_start3A_45 = tpu.memref_slice %arg5[%dma_start3A_38, %dma_start3A_44] : memref<128x50xi32, #tpu.memory_space<vmem>> -> memref<1x50xi32, #tpu.memory_space<vmem>>
    %dma_start3A_46 = tpu.memref_squeeze %dma_start3A_45 : memref<1x50xi32, #tpu.memory_space<vmem>> -> memref<50xi32, #tpu.memory_space<vmem>>
    %dma_start3A_47 = arith.constant 0 : i32
    %dma_start3A_48 = arith.constant 0 : i32
    %dma_start3A_49 = tpu.memref_slice %arg3[%dma_start3A_47, %dma_start3A_48] : memref<100000x64xf32, #tpu.memory_space<hbm>> -> memref<100000x64xf32, #tpu.memory_space<hbm>>
    tpu.enqueue_indirect_dma source(%dma_start3A_49 : memref<100000x64xf32, #tpu.memory_space<hbm>>) target(%dma_start3A_43 : memref<50x64xf32, #tpu.memory_space<vmem>>) offsets(%dma_start3A_46 : memref<50xi32, #tpu.memory_space<vmem>>) semaphore(%arg10 : memref<!tpu.dma_semaphore, #tpu.memory_space<semaphore_mem>>)
    %dma_start3A_50 = arith.constant 4 : i32
    %dma_start3A_51 = arith.constant 4 : i32
    %dma_start3A_52 = arith.constant 0 : i32
    %dma_start3A_53 = arith.constant 0 : i32
    %dma_start3A_54 = tpu.memref_slice %arg6[%dma_start3A_51, %dma_start3A_52, %dma_start3A_53] : memref<8x50x64xf32, #tpu.memory_space<vmem>> -> memref<1x50x64xf32, #tpu.memory_space<vmem>>
    %dma_start3A_55 = tpu.memref_squeeze %dma_start3A_54 : memref<1x50x64xf32, #tpu.memory_space<vmem>> -> memref<50x64xf32, #tpu.memory_space<vmem>>
    %dma_start3A_56 = arith.constant 0 : i32
    %dma_start3A_57 = tpu.memref_slice %arg5[%dma_start3A_50, %dma_start3A_56] : memref<128x50xi32, #tpu.memory_space<vmem>> -> memref<1x50xi32, #tpu.memory_space<vmem>>
    %dma_start3A_58 = tpu.memref_squeeze %dma_start3A_57 : memref<1x50xi32, #tpu.memory_space<vmem>> -> memref<50xi32, #tpu.memory_space<vmem>>
    %dma_start3A_59 = arith.constant 0 : i32
    %dma_start3A_60 = arith.constant 0 : i32
    %dma_start3A_61 = tpu.memref_slice %arg3[%dma_start3A_59, %dma_start3A_60] : memref<100000x64xf32, #tpu.memory_space<hbm>> -> memref<100000x64xf32, #tpu.memory_space<hbm>>
    tpu.enqueue_indirect_dma source(%dma_start3A_61 : memref<100000x64xf32, #tpu.memory_space<hbm>>) target(%dma_start3A_55 : memref<50x64xf32, #tpu.memory_space<vmem>>) offsets(%dma_start3A_58 : memref<50xi32, #tpu.memory_space<vmem>>) semaphore(%arg10 : memref<!tpu.dma_semaphore, #tpu.memory_space<semaphore_mem>>)
    %dma_start3A_62 = arith.constant 5 : i32
    %dma_start3A_63 = arith.constant 5 : i32
    %dma_start3A_64 = arith.constant 0 : i32
    %dma_start3A_65 = arith.constant 0 : i32
    %dma_start3A_66 = tpu.memref_slice %arg6[%dma_start3A_63, %dma_start3A_64, %dma_start3A_65] : memref<8x50x64xf32, #tpu.memory_space<vmem>> -> memref<1x50x64xf32, #tpu.memory_space<vmem>>
    %dma_start3A_67 = tpu.memref_squeeze %dma_start3A_66 : memref<1x50x64xf32, #tpu.memory_space<vmem>> -> memref<50x64xf32, #tpu.memory_space<vmem>>
    %dma_start3A_68 = arith.constant 0 : i32
    %dma_start3A_69 = tpu.memref_slice %arg5[%dma_start3A_62, %dma_start3A_68] : memref<128x50xi32, #tpu.memory_space<vmem>> -> memref<1x50xi32, #tpu.memory_space<vmem>>
    %dma_start3A_70 = tpu.memref_squeeze %dma_start3A_69 : memref<1x50xi32, #tpu.memory_space<vmem>> -> memref<50xi32, #tpu.memory_space<vmem>>
    %dma_start3A_71 = arith.constant 0 : i32
    %dma_start3A_72 = arith.constant 0 : i32
    %dma_start3A_73 = tpu.memref_slice %arg3[%dma_start3A_71, %dma_start3A_72] : memref<100000x64xf32, #tpu.memory_space<hbm>> -> memref<100000x64xf32, #tpu.memory_space<hbm>>
    tpu.enqueue_indirect_dma source(%dma_start3A_73 : memref<100000x64xf32, #tpu.memory_space<hbm>>) target(%dma_start3A_67 : memref<50x64xf32, #tpu.memory_space<vmem>>) offsets(%dma_start3A_70 : memref<50xi32, #tpu.memory_space<vmem>>) semaphore(%arg10 : memref<!tpu.dma_semaphore, #tpu.memory_space<semaphore_mem>>)
    %dma_start3A_74 = arith.constant 6 : i32
    %dma_start3A_75 = arith.constant 6 : i32
    %dma_start3A_76 = arith.constant 0 : i32
    %dma_start3A_77 = arith.constant 0 : i32
    %dma_start3A_78 = tpu.memref_slice %arg6[%dma_start3A_75, %dma_start3A_76, %dma_start3A_77] : memref<8x50x64xf32, #tpu.memory_space<vmem>> -> memref<1x50x64xf32, #tpu.memory_space<vmem>>
    %dma_start3A_79 = tpu.memref_squeeze %dma_start3A_78 : memref<1x50x64xf32, #tpu.memory_space<vmem>> -> memref<50x64xf32, #tpu.memory_space<vmem>>
    %dma_start3A_80 = arith.constant 0 : i32
    %dma_start3A_81 = tpu.memref_slice %arg5[%dma_start3A_74, %dma_start3A_80] : memref<128x50xi32, #tpu.memory_space<vmem>> -> memref<1x50xi32, #tpu.memory_space<vmem>>
    %dma_start3A_82 = tpu.memref_squeeze %dma_start3A_81 : memref<1x50xi32, #tpu.memory_space<vmem>> -> memref<50xi32, #tpu.memory_space<vmem>>
    %dma_start3A_83 = arith.constant 0 : i32
    %dma_start3A_84 = arith.constant 0 : i32
    %dma_start3A_85 = tpu.memref_slice %arg3[%dma_start3A_83, %dma_start3A_84] : memref<100000x64xf32, #tpu.memory_space<hbm>> -> memref<100000x64xf32, #tpu.memory_space<hbm>>
    tpu.enqueue_indirect_dma source(%dma_start3A_85 : memref<100000x64xf32, #tpu.memory_space<hbm>>) target(%dma_start3A_79 : memref<50x64xf32, #tpu.memory_space<vmem>>) offsets(%dma_start3A_82 : memref<50xi32, #tpu.memory_space<vmem>>) semaphore(%arg10 : memref<!tpu.dma_semaphore, #tpu.memory_space<semaphore_mem>>)
    %dma_start3A_86 = arith.constant 7 : i32
    %dma_start3A_87 = arith.constant 7 : i32
    %dma_start3A_88 = arith.constant 0 : i32
    %dma_start3A_89 = arith.constant 0 : i32
    %dma_start3A_90 = tpu.memref_slice %arg6[%dma_start3A_87, %dma_start3A_88, %dma_start3A_89] : memref<8x50x64xf32, #tpu.memory_space<vmem>> -> memref<1x50x64xf32, #tpu.memory_space<vmem>>
    %dma_start3A_91 = tpu.memref_squeeze %dma_start3A_90 : memref<1x50x64xf32, #tpu.memory_space<vmem>> -> memref<50x64xf32, #tpu.memory_space<vmem>>
    %dma_start3A_92 = arith.constant 0 : i32
    %dma_start3A_93 = tpu.memref_slice %arg5[%dma_start3A_86, %dma_start3A_92] : memref<128x50xi32, #tpu.memory_space<vmem>> -> memref<1x50xi32, #tpu.memory_space<vmem>>
    %dma_start3A_94 = tpu.memref_squeeze %dma_start3A_93 : memref<1x50xi32, #tpu.memory_space<vmem>> -> memref<50xi32, #tpu.memory_space<vmem>>
    %dma_start3A_95 = arith.constant 0 : i32
    %dma_start3A_96 = arith.constant 0 : i32
    %dma_start3A_97 = tpu.memref_slice %arg3[%dma_start3A_95, %dma_start3A_96] : memref<100000x64xf32, #tpu.memory_space<hbm>> -> memref<100000x64xf32, #tpu.memory_space<hbm>>
    tpu.enqueue_indirect_dma source(%dma_start3A_97 : memref<100000x64xf32, #tpu.memory_space<hbm>>) target(%dma_start3A_91 : memref<50x64xf32, #tpu.memory_space<vmem>>) offsets(%dma_start3A_94 : memref<50xi32, #tpu.memory_space<vmem>>) semaphore(%arg10 : memref<!tpu.dma_semaphore, #tpu.memory_space<semaphore_mem>>)
    %dma_start3A_98 = arith.constant 8 : i32
    %dma_start3A_99 = arith.constant 0 : i32
    %dma_start3A_100 = arith.constant 0 : i32
    %dma_start3A_101 = arith.constant 0 : i32
    %dma_start3A_102 = tpu.memref_slice %arg7[%dma_start3A_99, %dma_start3A_100, %dma_start3A_101] : memref<8x50x64xf32, #tpu.memory_space<vmem>> -> memref<1x50x64xf32, #tpu.memory_space<vmem>>
    %dma_start3A_103 = tpu.memref_squeeze %dma_start3A_102 : memref<1x50x64xf32, #tpu.memory_space<vmem>> -> memref<50x64xf32, #tpu.memory_space<vmem>>
    %dma_start3A_104 = arith.constant 0 : i32
    %dma_start3A_105 = tpu.memref_slice %arg5[%dma_start3A_98, %dma_start3A_104] : memref<128x50xi32, #tpu.memory_space<vmem>> -> memref<1x50xi32, #tpu.memory_space<vmem>>
    %dma_start3A_106 = tpu.memref_squeeze %dma_start3A_105 : memref<1x50xi32, #tpu.memory_space<vmem>> -> memref<50xi32, #tpu.memory_space<vmem>>
    %dma_start3A_107 = arith.constant 0 : i32
    %dma_start3A_108 = arith.constant 0 : i32
    %dma_start3A_109 = tpu.memref_slice %arg3[%dma_start3A_107, %dma_start3A_108] : memref<100000x64xf32, #tpu.memory_space<hbm>> -> memref<100000x64xf32, #tpu.memory_space<hbm>>
    tpu.enqueue_indirect_dma source(%dma_start3A_109 : memref<100000x64xf32, #tpu.memory_space<hbm>>) target(%dma_start3A_103 : memref<50x64xf32, #tpu.memory_space<vmem>>) offsets(%dma_start3A_106 : memref<50xi32, #tpu.memory_space<vmem>>) semaphore(%arg11 : memref<!tpu.dma_semaphore, #tpu.memory_space<semaphore_mem>>)
    %dma_start3A_110 = arith.constant 9 : i32
    %dma_start3A_111 = arith.constant 1 : i32
    %dma_start3A_112 = arith.constant 0 : i32
    %dma_start3A_113 = arith.constant 0 : i32
    %dma_start3A_114 = tpu.memref_slice %arg7[%dma_start3A_111, %dma_start3A_112, %dma_start3A_113] : memref<8x50x64xf32, #tpu.memory_space<vmem>> -> memref<1x50x64xf32, #tpu.memory_space<vmem>>
    %dma_start3A_115 = tpu.memref_squeeze %dma_start3A_114 : memref<1x50x64xf32, #tpu.memory_space<vmem>> -> memref<50x64xf32, #tpu.memory_space<vmem>>
    %dma_start3A_116 = arith.constant 0 : i32
    %dma_start3A_117 = tpu.memref_slice %arg5[%dma_start3A_110, %dma_start3A_116] : memref<128x50xi32, #tpu.memory_space<vmem>> -> memref<1x50xi32, #tpu.memory_space<vmem>>
    %dma_start3A_118 = tpu.memref_squeeze %dma_start3A_117 : memref<1x50xi32, #tpu.memory_space<vmem>> -> memref<50xi32, #tpu.memory_space<vmem>>
    %dma_start3A_119 = arith.constant 0 : i32
    %dma_start3A_120 = arith.constant 0 : i32
    %dma_start3A_121 = tpu.memref_slice %arg3[%dma_start3A_119, %dma_start3A_120] : memref<100000x64xf32, #tpu.memory_space<hbm>> -> memref<100000x64xf32, #tpu.memory_space<hbm>>
    tpu.enqueue_indirect_dma source(%dma_start3A_121 : memref<100000x64xf32, #tpu.memory_space<hbm>>) target(%dma_start3A_115 : memref<50x64xf32, #tpu.memory_space<vmem>>) offsets(%dma_start3A_118 : memref<50xi32, #tpu.memory_space<vmem>>) semaphore(%arg11 : memref<!tpu.dma_semaphore, #tpu.memory_space<semaphore_mem>>)
    %dma_start3A_122 = arith.constant 10 : i32
    %dma_start3A_123 = arith.constant 2 : i32
    %dma_start3A_124 = arith.constant 0 : i32
    %dma_start3A_125 = arith.constant 0 : i32
    %dma_start3A_126 = tpu.memref_slice %arg7[%dma_start3A_123, %dma_start3A_124, %dma_start3A_125] : memref<8x50x64xf32, #tpu.memory_space<vmem>> -> memref<1x50x64xf32, #tpu.memory_space<vmem>>
    %dma_start3A_127 = tpu.memref_squeeze %dma_start3A_126 : memref<1x50x64xf32, #tpu.memory_space<vmem>> -> memref<50x64xf32, #tpu.memory_space<vmem>>
    %dma_start3A_128 = arith.constant 0 : i32
    %dma_start3A_129 = tpu.memref_slice %arg5[%dma_start3A_122, %dma_start3A_128] : memref<128x50xi32, #tpu.memory_space<vmem>> -> memref<1x50xi32, #tpu.memory_space<vmem>>
    %dma_start3A_130 = tpu.memref_squeeze %dma_start3A_129 : memref<1x50xi32, #tpu.memory_space<vmem>> -> memref<50xi32, #tpu.memory_space<vmem>>
    %dma_start3A_131 = arith.constant 0 : i32
    %dma_start3A_132 = arith.constant 0 : i32
    %dma_start3A_133 = tpu.memref_slice %arg3[%dma_start3A_131, %dma_start3A_132] : memref<100000x64xf32, #tpu.memory_space<hbm>> -> memref<100000x64xf32, #tpu.memory_space<hbm>>
    tpu.enqueue_indirect_dma source(%dma_start3A_133 : memref<100000x64xf32, #tpu.memory_space<hbm>>) target(%dma_start3A_127 : memref<50x64xf32, #tpu.memory_space<vmem>>) offsets(%dma_start3A_130 : memref<50xi32, #tpu.memory_space<vmem>>) semaphore(%arg11 : memref<!tpu.dma_semaphore, #tpu.memory_space<semaphore_mem>>)
    %dma_start3A_134 = arith.constant 11 : i32
    %dma_start3A_135 = arith.constant 3 : i32
    %dma_start3A_136 = arith.constant 0 : i32
    %dma_start3A_137 = arith.constant 0 : i32
    %dma_start3A_138 = tpu.memref_slice %arg7[%dma_start3A_135, %dma_start3A_136, %dma_start3A_137] : memref<8x50x64xf32, #tpu.memory_space<vmem>> -> memref<1x50x64xf32, #tpu.memory_space<vmem>>
    %dma_start3A_139 = tpu.memref_squeeze %dma_start3A_138 : memref<1x50x64xf32, #tpu.memory_space<vmem>> -> memref<50x64xf32, #tpu.memory_space<vmem>>
    %dma_start3A_140 = arith.constant 0 : i32
    %dma_start3A_141 = tpu.memref_slice %arg5[%dma_start3A_134, %dma_start3A_140] : memref<128x50xi32, #tpu.memory_space<vmem>> -> memref<1x50xi32, #tpu.memory_space<vmem>>
    %dma_start3A_142 = tpu.memref_squeeze %dma_start3A_141 : memref<1x50xi32, #tpu.memory_space<vmem>> -> memref<50xi32, #tpu.memory_space<vmem>>
    %dma_start3A_143 = arith.constant 0 : i32
    %dma_start3A_144 = arith.constant 0 : i32
    %dma_start3A_145 = tpu.memref_slice %arg3[%dma_start3A_143, %dma_start3A_144] : memref<100000x64xf32, #tpu.memory_space<hbm>> -> memref<100000x64xf32, #tpu.memory_space<hbm>>
    tpu.enqueue_indirect_dma source(%dma_start3A_145 : memref<100000x64xf32, #tpu.memory_space<hbm>>) target(%dma_start3A_139 : memref<50x64xf32, #tpu.memory_space<vmem>>) offsets(%dma_start3A_142 : memref<50xi32, #tpu.memory_space<vmem>>) semaphore(%arg11 : memref<!tpu.dma_semaphore, #tpu.memory_space<semaphore_mem>>)
    %dma_start3A_146 = arith.constant 12 : i32
    %dma_start3A_147 = arith.constant 4 : i32
    %dma_start3A_148 = arith.constant 0 : i32
    %dma_start3A_149 = arith.constant 0 : i32
    %dma_start3A_150 = tpu.memref_slice %arg7[%dma_start3A_147, %dma_start3A_148, %dma_start3A_149] : memref<8x50x64xf32, #tpu.memory_space<vmem>> -> memref<1x50x64xf32, #tpu.memory_space<vmem>>
    %dma_start3A_151 = tpu.memref_squeeze %dma_start3A_150 : memref<1x50x64xf32, #tpu.memory_space<vmem>> -> memref<50x64xf32, #tpu.memory_space<vmem>>
    %dma_start3A_152 = arith.constant 0 : i32
    %dma_start3A_153 = tpu.memref_slice %arg5[%dma_start3A_146, %dma_start3A_152] : memref<128x50xi32, #tpu.memory_space<vmem>> -> memref<1x50xi32, #tpu.memory_space<vmem>>
    %dma_start3A_154 = tpu.memref_squeeze %dma_start3A_153 : memref<1x50xi32, #tpu.memory_space<vmem>> -> memref<50xi32, #tpu.memory_space<vmem>>
    %dma_start3A_155 = arith.constant 0 : i32
    %dma_start3A_156 = arith.constant 0 : i32
    %dma_start3A_157 = tpu.memref_slice %arg3[%dma_start3A_155, %dma_start3A_156] : memref<100000x64xf32, #tpu.memory_space<hbm>> -> memref<100000x64xf32, #tpu.memory_space<hbm>>
    tpu.enqueue_indirect_dma source(%dma_start3A_157 : memref<100000x64xf32, #tpu.memory_space<hbm>>) target(%dma_start3A_151 : memref<50x64xf32, #tpu.memory_space<vmem>>) offsets(%dma_start3A_154 : memref<50xi32, #tpu.memory_space<vmem>>) semaphore(%arg11 : memref<!tpu.dma_semaphore, #tpu.memory_space<semaphore_mem>>)
    %dma_start3A_158 = arith.constant 13 : i32
    %dma_start3A_159 = arith.constant 5 : i32
    %dma_start3A_160 = arith.constant 0 : i32
    %dma_start3A_161 = arith.constant 0 : i32
    %dma_start3A_162 = tpu.memref_slice %arg7[%dma_start3A_159, %dma_start3A_160, %dma_start3A_161] : memref<8x50x64xf32, #tpu.memory_space<vmem>> -> memref<1x50x64xf32, #tpu.memory_space<vmem>>
    %dma_start3A_163 = tpu.memref_squeeze %dma_start3A_162 : memref<1x50x64xf32, #tpu.memory_space<vmem>> -> memref<50x64xf32, #tpu.memory_space<vmem>>
    %dma_start3A_164 = arith.constant 0 : i32
    %dma_start3A_165 = tpu.memref_slice %arg5[%dma_start3A_158, %dma_start3A_164] : memref<128x50xi32, #tpu.memory_space<vmem>> -> memref<1x50xi32, #tpu.memory_space<vmem>>
    %dma_start3A_166 = tpu.memref_squeeze %dma_start3A_165 : memref<1x50xi32, #tpu.memory_space<vmem>> -> memref<50xi32, #tpu.memory_space<vmem>>
    %dma_start3A_167 = arith.constant 0 : i32
    %dma_start3A_168 = arith.constant 0 : i32
    %dma_start3A_169 = tpu.memref_slice %arg3[%dma_start3A_167, %dma_start3A_168] : memref<100000x64xf32, #tpu.memory_space<hbm>> -> memref<100000x64xf32, #tpu.memory_space<hbm>>
    tpu.enqueue_indirect_dma source(%dma_start3A_169 : memref<100000x64xf32, #tpu.memory_space<hbm>>) target(%dma_start3A_163 : memref<50x64xf32, #tpu.memory_space<vmem>>) offsets(%dma_start3A_166 : memref<50xi32, #tpu.memory_space<vmem>>) semaphore(%arg11 : memref<!tpu.dma_semaphore, #tpu.memory_space<semaphore_mem>>)
    %dma_start3A_170 = arith.constant 14 : i32
    %dma_start3A_171 = arith.constant 6 : i32
    %dma_start3A_172 = arith.constant 0 : i32
    %dma_start3A_173 = arith.constant 0 : i32
    %dma_start3A_174 = tpu.memref_slice %arg7[%dma_start3A_171, %dma_start3A_172, %dma_start3A_173] : memref<8x50x64xf32, #tpu.memory_space<vmem>> -> memref<1x50x64xf32, #tpu.memory_space<vmem>>
    %dma_start3A_175 = tpu.memref_squeeze %dma_start3A_174 : memref<1x50x64xf32, #tpu.memory_space<vmem>> -> memref<50x64xf32, #tpu.memory_space<vmem>>
    %dma_start3A_176 = arith.constant 0 : i32
    %dma_start3A_177 = tpu.memref_slice %arg5[%dma_start3A_170, %dma_start3A_176] : memref<128x50xi32, #tpu.memory_space<vmem>> -> memref<1x50xi32, #tpu.memory_space<vmem>>
    %dma_start3A_178 = tpu.memref_squeeze %dma_start3A_177 : memref<1x50xi32, #tpu.memory_space<vmem>> -> memref<50xi32, #tpu.memory_space<vmem>>
    %dma_start3A_179 = arith.constant 0 : i32
    %dma_start3A_180 = arith.constant 0 : i32
    %dma_start3A_181 = tpu.memref_slice %arg3[%dma_start3A_179, %dma_start3A_180] : memref<100000x64xf32, #tpu.memory_space<hbm>> -> memref<100000x64xf32, #tpu.memory_space<hbm>>
    tpu.enqueue_indirect_dma source(%dma_start3A_181 : memref<100000x64xf32, #tpu.memory_space<hbm>>) target(%dma_start3A_175 : memref<50x64xf32, #tpu.memory_space<vmem>>) offsets(%dma_start3A_178 : memref<50xi32, #tpu.memory_space<vmem>>) semaphore(%arg11 : memref<!tpu.dma_semaphore, #tpu.memory_space<semaphore_mem>>)
    %dma_start3A_182 = arith.constant 15 : i32
    %dma_start3A_183 = arith.constant 7 : i32
    %dma_start3A_184 = arith.constant 0 : i32
    %dma_start3A_185 = arith.constant 0 : i32
    %dma_start3A_186 = tpu.memref_slice %arg7[%dma_start3A_183, %dma_start3A_184, %dma_start3A_185] : memref<8x50x64xf32, #tpu.memory_space<vmem>> -> memref<1x50x64xf32, #tpu.memory_space<vmem>>
    %dma_start3A_187 = tpu.memref_squeeze %dma_start3A_186 : memref<1x50x64xf32, #tpu.memory_space<vmem>> -> memref<50x64xf32, #tpu.memory_space<vmem>>
    %dma_start3A_188 = arith.constant 0 : i32
    %dma_start3A_189 = tpu.memref_slice %arg5[%dma_start3A_182, %dma_start3A_188] : memref<128x50xi32, #tpu.memory_space<vmem>> -> memref<1x50xi32, #tpu.memory_space<vmem>>
    %dma_start3A_190 = tpu.memref_squeeze %dma_start3A_189 : memref<1x50xi32, #tpu.memory_space<vmem>> -> memref<50xi32, #tpu.memory_space<vmem>>
    %dma_start3A_191 = arith.constant 0 : i32
    %dma_start3A_192 = arith.constant 0 : i32
    %dma_start3A_193 = tpu.memref_slice %arg3[%dma_start3A_191, %dma_start3A_192] : memref<100000x64xf32, #tpu.memory_space<hbm>> -> memref<100000x64xf32, #tpu.memory_space<hbm>>
    tpu.enqueue_indirect_dma source(%dma_start3A_193 : memref<100000x64xf32, #tpu.memory_space<hbm>>) target(%dma_start3A_187 : memref<50x64xf32, #tpu.memory_space<vmem>>) offsets(%dma_start3A_190 : memref<50xi32, #tpu.memory_space<vmem>>) semaphore(%arg11 : memref<!tpu.dma_semaphore, #tpu.memory_space<semaphore_mem>>)
    %dma_start3A_194 = arith.constant 16 : i32
    %dma_start3A_195 = arith.constant 0 : i32
    %dma_start3A_196 = arith.constant 0 : i32
    %dma_start3A_197 = arith.constant 0 : i32
    %dma_start3A_198 = tpu.memref_slice %arg8[%dma_start3A_195, %dma_start3A_196, %dma_start3A_197] : memref<8x50x64xf32, #tpu.memory_space<vmem>> -> memref<1x50x64xf32, #tpu.memory_space<vmem>>
    %dma_start3A_199 = tpu.memref_squeeze %dma_start3A_198 : memref<1x50x64xf32, #tpu.memory_space<vmem>> -> memref<50x64xf32, #tpu.memory_space<vmem>>
    %dma_start3A_200 = arith.constant 0 : i32
    %dma_start3A_201 = tpu.memref_slice %arg5[%dma_start3A_194, %dma_start3A_200] : memref<128x50xi32, #tpu.memory_space<vmem>> -> memref<1x50xi32, #tpu.memory_space<vmem>>
    %dma_start3A_202 = tpu.memref_squeeze %dma_start3A_201 : memref<1x50xi32, #tpu.memory_space<vmem>> -> memref<50xi32, #tpu.memory_space<vmem>>
    %dma_start3A_203 = arith.constant 0 : i32
    %dma_start3A_204 = arith.constant 0 : i32
    %dma_start3A_205 = tpu.memref_slice %arg3[%dma_start3A_203, %dma_start3A_204] : memref<100000x64xf32, #tpu.memory_space<hbm>> -> memref<100000x64xf32, #tpu.memory_space<hbm>>
    tpu.enqueue_indirect_dma source(%dma_start3A_205 : memref<100000x64xf32, #tpu.memory_space<hbm>>) target(%dma_start3A_199 : memref<50x64xf32, #tpu.memory_space<vmem>>) offsets(%dma_start3A_202 : memref<50xi32, #tpu.memory_space<vmem>>) semaphore(%arg12 : memref<!tpu.dma_semaphore, #tpu.memory_space<semaphore_mem>>)
    %dma_start3A_206 = arith.constant 17 : i32
    %dma_start3A_207 = arith.constant 1 : i32
    %dma_start3A_208 = arith.constant 0 : i32
    %dma_start3A_209 = arith.constant 0 : i32
    %dma_start3A_210 = tpu.memref_slice %arg8[%dma_start3A_207, %dma_start3A_208, %dma_start3A_209] : memref<8x50x64xf32, #tpu.memory_space<vmem>> -> memref<1x50x64xf32, #tpu.memory_space<vmem>>
    %dma_start3A_211 = tpu.memref_squeeze %dma_start3A_210 : memref<1x50x64xf32, #tpu.memory_space<vmem>> -> memref<50x64xf32, #tpu.memory_space<vmem>>
    %dma_start3A_212 = arith.constant 0 : i32
    %dma_start3A_213 = tpu.memref_slice %arg5[%dma_start3A_206, %dma_start3A_212] : memref<128x50xi32, #tpu.memory_space<vmem>> -> memref<1x50xi32, #tpu.memory_space<vmem>>
    %dma_start3A_214 = tpu.memref_squeeze %dma_start3A_213 : memref<1x50xi32, #tpu.memory_space<vmem>> -> memref<50xi32, #tpu.memory_space<vmem>>
    %dma_start3A_215 = arith.constant 0 : i32
    %dma_start3A_216 = arith.constant 0 : i32
    %dma_start3A_217 = tpu.memref_slice %arg3[%dma_start3A_215, %dma_start3A_216] : memref<100000x64xf32, #tpu.memory_space<hbm>> -> memref<100000x64xf32, #tpu.memory_space<hbm>>
    tpu.enqueue_indirect_dma source(%dma_start3A_217 : memref<100000x64xf32, #tpu.memory_space<hbm>>) target(%dma_start3A_211 : memref<50x64xf32, #tpu.memory_space<vmem>>) offsets(%dma_start3A_214 : memref<50xi32, #tpu.memory_space<vmem>>) semaphore(%arg12 : memref<!tpu.dma_semaphore, #tpu.memory_space<semaphore_mem>>)
    %dma_start3A_218 = arith.constant 18 : i32
    %dma_start3A_219 = arith.constant 2 : i32
    %dma_start3A_220 = arith.constant 0 : i32
    %dma_start3A_221 = arith.constant 0 : i32
    %dma_start3A_222 = tpu.memref_slice %arg8[%dma_start3A_219, %dma_start3A_220, %dma_start3A_221] : memref<8x50x64xf32, #tpu.memory_space<vmem>> -> memref<1x50x64xf32, #tpu.memory_space<vmem>>
    %dma_start3A_223 = tpu.memref_squeeze %dma_start3A_222 : memref<1x50x64xf32, #tpu.memory_space<vmem>> -> memref<50x64xf32, #tpu.memory_space<vmem>>
    %dma_start3A_224 = arith.constant 0 : i32
    %dma_start3A_225 = tpu.memref_slice %arg5[%dma_start3A_218, %dma_start3A_224] : memref<128x50xi32, #tpu.memory_space<vmem>> -> memref<1x50xi32, #tpu.memory_space<vmem>>
    %dma_start3A_226 = tpu.memref_squeeze %dma_start3A_225 : memref<1x50xi32, #tpu.memory_space<vmem>> -> memref<50xi32, #tpu.memory_space<vmem>>
    %dma_start3A_227 = arith.constant 0 : i32
    %dma_start3A_228 = arith.constant 0 : i32
    %dma_start3A_229 = tpu.memref_slice %arg3[%dma_start3A_227, %dma_start3A_228] : memref<100000x64xf32, #tpu.memory_space<hbm>> -> memref<100000x64xf32, #tpu.memory_space<hbm>>
    tpu.enqueue_indirect_dma source(%dma_start3A_229 : memref<100000x64xf32, #tpu.memory_space<hbm>>) target(%dma_start3A_223 : memref<50x64xf32, #tpu.memory_space<vmem>>) offsets(%dma_start3A_226 : memref<50xi32, #tpu.memory_space<vmem>>) semaphore(%arg12 : memref<!tpu.dma_semaphore, #tpu.memory_space<semaphore_mem>>)
    %dma_start3A_230 = arith.constant 19 : i32
    %dma_start3A_231 = arith.constant 3 : i32
    %dma_start3A_232 = arith.constant 0 : i32
    %dma_start3A_233 = arith.constant 0 : i32
    %dma_start3A_234 = tpu.memref_slice %arg8[%dma_start3A_231, %dma_start3A_232, %dma_start3A_233] : memref<8x50x64xf32, #tpu.memory_space<vmem>> -> memref<1x50x64xf32, #tpu.memory_space<vmem>>
    %dma_start3A_235 = tpu.memref_squeeze %dma_start3A_234 : memref<1x50x64xf32, #tpu.memory_space<vmem>> -> memref<50x64xf32, #tpu.memory_space<vmem>>
    %dma_start3A_236 = arith.constant 0 : i32
    %dma_start3A_237 = tpu.memref_slice %arg5[%dma_start3A_230, %dma_start3A_236] : memref<128x50xi32, #tpu.memory_space<vmem>> -> memref<1x50xi32, #tpu.memory_space<vmem>>
    %dma_start3A_238 = tpu.memref_squeeze %dma_start3A_237 : memref<1x50xi32, #tpu.memory_space<vmem>> -> memref<50xi32, #tpu.memory_space<vmem>>
    %dma_start3A_239 = arith.constant 0 : i32
    %dma_start3A_240 = arith.constant 0 : i32
    %dma_start3A_241 = tpu.memref_slice %arg3[%dma_start3A_239, %dma_start3A_240] : memref<100000x64xf32, #tpu.memory_space<hbm>> -> memref<100000x64xf32, #tpu.memory_space<hbm>>
    tpu.enqueue_indirect_dma source(%dma_start3A_241 : memref<100000x64xf32, #tpu.memory_space<hbm>>) target(%dma_start3A_235 : memref<50x64xf32, #tpu.memory_space<vmem>>) offsets(%dma_start3A_238 : memref<50xi32, #tpu.memory_space<vmem>>) semaphore(%arg12 : memref<!tpu.dma_semaphore, #tpu.memory_space<semaphore_mem>>)
    %dma_start3A_242 = arith.constant 20 : i32
    %dma_start3A_243 = arith.constant 4 : i32
    %dma_start3A_244 = arith.constant 0 : i32
    %dma_start3A_245 = arith.constant 0 : i32
    %dma_start3A_246 = tpu.memref_slice %arg8[%dma_start3A_243, %dma_start3A_244, %dma_start3A_245] : memref<8x50x64xf32, #tpu.memory_space<vmem>> -> memref<1x50x64xf32, #tpu.memory_space<vmem>>
    %dma_start3A_247 = tpu.memref_squeeze %dma_start3A_246 : memref<1x50x64xf32, #tpu.memory_space<vmem>> -> memref<50x64xf32, #tpu.memory_space<vmem>>
    %dma_start3A_248 = arith.constant 0 : i32
    %dma_start3A_249 = tpu.memref_slice %arg5[%dma_start3A_242, %dma_start3A_248] : memref<128x50xi32, #tpu.memory_space<vmem>> -> memref<1x50xi32, #tpu.memory_space<vmem>>
    %dma_start3A_250 = tpu.memref_squeeze %dma_start3A_249 : memref<1x50xi32, #tpu.memory_space<vmem>> -> memref<50xi32, #tpu.memory_space<vmem>>
    %dma_start3A_251 = arith.constant 0 : i32
    %dma_start3A_252 = arith.constant 0 : i32
    %dma_start3A_253 = tpu.memref_slice %arg3[%dma_start3A_251, %dma_start3A_252] : memref<100000x64xf32, #tpu.memory_space<hbm>> -> memref<100000x64xf32, #tpu.memory_space<hbm>>
    tpu.enqueue_indirect_dma source(%dma_start3A_253 : memref<100000x64xf32, #tpu.memory_space<hbm>>) target(%dma_start3A_247 : memref<50x64xf32, #tpu.memory_space<vmem>>) offsets(%dma_start3A_250 : memref<50xi32, #tpu.memory_space<vmem>>) semaphore(%arg12 : memref<!tpu.dma_semaphore, #tpu.memory_space<semaphore_mem>>)
    %dma_start3A_254 = arith.constant 21 : i32
    %dma_start3A_255 = arith.constant 5 : i32
    %dma_start3A_256 = arith.constant 0 : i32
    %dma_start3A_257 = arith.constant 0 : i32
    %dma_start3A_258 = tpu.memref_slice %arg8[%dma_start3A_255, %dma_start3A_256, %dma_start3A_257] : memref<8x50x64xf32, #tpu.memory_space<vmem>> -> memref<1x50x64xf32, #tpu.memory_space<vmem>>
    %dma_start3A_259 = tpu.memref_squeeze %dma_start3A_258 : memref<1x50x64xf32, #tpu.memory_space<vmem>> -> memref<50x64xf32, #tpu.memory_space<vmem>>
    %dma_start3A_260 = arith.constant 0 : i32
    %dma_start3A_261 = tpu.memref_slice %arg5[%dma_start3A_254, %dma_start3A_260] : memref<128x50xi32, #tpu.memory_space<vmem>> -> memref<1x50xi32, #tpu.memory_space<vmem>>
    %dma_start3A_262 = tpu.memref_squeeze %dma_start3A_261 : memref<1x50xi32, #tpu.memory_space<vmem>> -> memref<50xi32, #tpu.memory_space<vmem>>
    %dma_start3A_263 = arith.constant 0 : i32
    %dma_start3A_264 = arith.constant 0 : i32
    %dma_start3A_265 = tpu.memref_slice %arg3[%dma_start3A_263, %dma_start3A_264] : memref<100000x64xf32, #tpu.memory_space<hbm>> -> memref<100000x64xf32, #tpu.memory_space<hbm>>
    tpu.enqueue_indirect_dma source(%dma_start3A_265 : memref<100000x64xf32, #tpu.memory_space<hbm>>) target(%dma_start3A_259 : memref<50x64xf32, #tpu.memory_space<vmem>>) offsets(%dma_start3A_262 : memref<50xi32, #tpu.memory_space<vmem>>) semaphore(%arg12 : memref<!tpu.dma_semaphore, #tpu.memory_space<semaphore_mem>>)
    %dma_start3A_266 = arith.constant 22 : i32
    %dma_start3A_267 = arith.constant 6 : i32
    %dma_start3A_268 = arith.constant 0 : i32
    %dma_start3A_269 = arith.constant 0 : i32
    %dma_start3A_270 = tpu.memref_slice %arg8[%dma_start3A_267, %dma_start3A_268, %dma_start3A_269] : memref<8x50x64xf32, #tpu.memory_space<vmem>> -> memref<1x50x64xf32, #tpu.memory_space<vmem>>
    %dma_start3A_271 = tpu.memref_squeeze %dma_start3A_270 : memref<1x50x64xf32, #tpu.memory_space<vmem>> -> memref<50x64xf32, #tpu.memory_space<vmem>>
    %dma_start3A_272 = arith.constant 0 : i32
    %dma_start3A_273 = tpu.memref_slice %arg5[%dma_start3A_266, %dma_start3A_272] : memref<128x50xi32, #tpu.memory_space<vmem>> -> memref<1x50xi32, #tpu.memory_space<vmem>>
    %dma_start3A_274 = tpu.memref_squeeze %dma_start3A_273 : memref<1x50xi32, #tpu.memory_space<vmem>> -> memref<50xi32, #tpu.memory_space<vmem>>
    %dma_start3A_275 = arith.constant 0 : i32
    %dma_start3A_276 = arith.constant 0 : i32
    %dma_start3A_277 = tpu.memref_slice %arg3[%dma_start3A_275, %dma_start3A_276] : memref<100000x64xf32, #tpu.memory_space<hbm>> -> memref<100000x64xf32, #tpu.memory_space<hbm>>
    tpu.enqueue_indirect_dma source(%dma_start3A_277 : memref<100000x64xf32, #tpu.memory_space<hbm>>) target(%dma_start3A_271 : memref<50x64xf32, #tpu.memory_space<vmem>>) offsets(%dma_start3A_274 : memref<50xi32, #tpu.memory_space<vmem>>) semaphore(%arg12 : memref<!tpu.dma_semaphore, #tpu.memory_space<semaphore_mem>>)
    %dma_start3A_278 = arith.constant 23 : i32
    %dma_start3A_279 = arith.constant 7 : i32
    %dma_start3A_280 = arith.constant 0 : i32
    %dma_start3A_281 = arith.constant 0 : i32
    %dma_start3A_282 = tpu.memref_slice %arg8[%dma_start3A_279, %dma_start3A_280, %dma_start3A_281] : memref<8x50x64xf32, #tpu.memory_space<vmem>> -> memref<1x50x64xf32, #tpu.memory_space<vmem>>
    %dma_start3A_283 = tpu.memref_squeeze %dma_start3A_282 : memref<1x50x64xf32, #tpu.memory_space<vmem>> -> memref<50x64xf32, #tpu.memory_space<vmem>>
    %dma_start3A_284 = arith.constant 0 : i32
    %dma_start3A_285 = tpu.memref_slice %arg5[%dma_start3A_278, %dma_start3A_284] : memref<128x50xi32, #tpu.memory_space<vmem>> -> memref<1x50xi32, #tpu.memory_space<vmem>>
    %dma_start3A_286 = tpu.memref_squeeze %dma_start3A_285 : memref<1x50xi32, #tpu.memory_space<vmem>> -> memref<50xi32, #tpu.memory_space<vmem>>
    %dma_start3A_287 = arith.constant 0 : i32
    %dma_start3A_288 = arith.constant 0 : i32
    %dma_start3A_289 = tpu.memref_slice %arg3[%dma_start3A_287, %dma_start3A_288] : memref<100000x64xf32, #tpu.memory_space<hbm>> -> memref<100000x64xf32, #tpu.memory_space<hbm>>
    tpu.enqueue_indirect_dma source(%dma_start3A_289 : memref<100000x64xf32, #tpu.memory_space<hbm>>) target(%dma_start3A_283 : memref<50x64xf32, #tpu.memory_space<vmem>>) offsets(%dma_start3A_286 : memref<50xi32, #tpu.memory_space<vmem>>) semaphore(%arg12 : memref<!tpu.dma_semaphore, #tpu.memory_space<semaphore_mem>>)
    %scan3A = arith.constant 0 : i32
    %scan3A_290 = arith.constant 0 : i32
    %scan3A_291 = arith.constant 4 : i32
    %scan3A_292 = arith.addi %scan3A_290, %scan3A_291 : i32
    %scan3A_293 = arith.constant 1 : i32
    scf.for %scan3A_326 = %scan3A_290 to %scan3A_292 step %scan3A_293  : i32 {
      %mul3A_327 = arith.constant 4 : i32
      %mul3A_328 = arith.muli %mul3A_327, %scan3A_326 : i32
      %add3A_329 = arith.constant 0 : i32
      %add3A_330 = arith.addi %mul3A_328, %add3A_329 : i32
      %dma_wait3A_331 = arith.constant 0 : i32
      %dma_wait3A_332 = arith.constant 0 : i32
      %dma_wait3A_333 = arith.constant 0 : i32
      %dma_wait3A_334 = tpu.memref_slice %arg4[%dma_wait3A_331, %dma_wait3A_332, %dma_wait3A_333] : memref<4096x56x128xf32, #tpu.memory_space<hbm>> -> memref<8x50x64xf32, #tpu.memory_space<hbm>>
      %dma_wait3A_335 = arith.constant 0 : i32
      %dma_wait3A_336 = arith.constant 0 : i32
      %dma_wait3A_337 = arith.constant 0 : i32
      %dma_wait3A_338 = tpu.memref_slice %arg4[%dma_wait3A_335, %dma_wait3A_336, %dma_wait3A_337] : memref<4096x56x128xf32, #tpu.memory_space<hbm>> -> memref<8x50x64xf32, #tpu.memory_space<hbm>>
      tpu.wait_dma2 semaphore(%arg10 : memref<!tpu.dma_semaphore, #tpu.memory_space<semaphore_mem>>) src(%dma_wait3A_338 : memref<8x50x64xf32, #tpu.memory_space<hbm>>) dst(%arg6 : memref<8x50x64xf32, #tpu.memory_space<vmem>>)
      %mul3A_339 = arith.constant 8 : i32
      %mul3A_340 = arith.muli %add3A_330, %mul3A_339 : i32
      %add3A_341 = arith.addi %mul3A_2, %mul3A_340 : i32
      %dma_start3A_342 = arith.constant 0 : i32
      %dma_start3A_343 = arith.constant 0 : i32
      %dma_start3A_344 = tpu.memref_slice %arg4[%add3A_341, %dma_start3A_342, %dma_start3A_343] : memref<4096x56x128xf32, #tpu.memory_space<hbm>> -> memref<8x50x64xf32, #tpu.memory_space<hbm>>
      %dma_start3A_345 = arith.constant 0 : i32
      %dma_start3A_346 = arith.constant 0 : i32
      %dma_start3A_347 = tpu.memref_slice %arg4[%add3A_341, %dma_start3A_345, %dma_start3A_346] : memref<4096x56x128xf32, #tpu.memory_space<hbm>> -> memref<8x50x64xf32, #tpu.memory_space<hbm>>
      tpu.enqueue_dma source(%arg6 : memref<8x50x64xf32, #tpu.memory_space<vmem>>) target(%dma_start3A_347 : memref<8x50x64xf32, #tpu.memory_space<hbm>>) target_semaphore(%arg14 : memref<!tpu.dma_semaphore, #tpu.memory_space<semaphore_mem>>)
      %add3A_348 = arith.constant 4 : i32
      %add3A_349 = arith.addi %add3A_330, %add3A_348 : i32
      %sub3A = arith.constant 1 : i32
      %sub3A_350 = arith.subi %add3A_349, %sub3A : i32
      %lt3A = arith.constant 16 : i32
      %lt3A_351 = arith.cmpi slt, %sub3A_350, %lt3A : i32
      %convert_element_type3A = arith.extui %lt3A_351 : i1 to i32
      %cond3A = arith.constant 0 : i32
      %cond3A_352 = arith.cmpi ne, %convert_element_type3A, %cond3A : i32
      scf.if %cond3A_352 {
        %ge3A = arith.constant 4 : i32
        %ge3A_443 = arith.cmpi sge, %sub3A_350, %ge3A : i32
        %convert_element_type3A_444 = arith.extui %ge3A_443 : i1 to i32
        %cond3A_445 = arith.constant 0 : i32
        %cond3A_446 = arith.cmpi ne, %convert_element_type3A_444, %cond3A_445 : i32
        scf.if %cond3A_446 {
          %dma_wait3A_567 = arith.constant 0 : i32
          %dma_wait3A_568 = arith.constant 0 : i32
          %dma_wait3A_569 = arith.constant 0 : i32
          %dma_wait3A_570 = tpu.memref_slice %arg4[%dma_wait3A_567, %dma_wait3A_568, %dma_wait3A_569] : memref<4096x56x128xf32, #tpu.memory_space<hbm>> -> memref<8x50x64xf32, #tpu.memory_space<hbm>>
          %dma_wait3A_571 = arith.constant 0 : i32
          %dma_wait3A_572 = arith.constant 0 : i32
          %dma_wait3A_573 = arith.constant 0 : i32
          %dma_wait3A_574 = tpu.memref_slice %arg4[%dma_wait3A_571, %dma_wait3A_572, %dma_wait3A_573] : memref<4096x56x128xf32, #tpu.memory_space<hbm>> -> memref<8x50x64xf32, #tpu.memory_space<hbm>>
          tpu.wait_dma2 semaphore(%arg17 : memref<!tpu.dma_semaphore, #tpu.memory_space<semaphore_mem>>) src(%dma_wait3A_574 : memref<8x50x64xf32, #tpu.memory_space<hbm>>) dst(%arg9 : memref<8x50x64xf32, #tpu.memory_space<vmem>>)
        } else {
        }
        %mul3A_447 = arith.constant 8 : i32
        %mul3A_448 = arith.muli %sub3A_350, %mul3A_447 : i32
        %add3A_449 = arith.constant 0 : i32
        %add3A_450 = arith.addi %mul3A_448, %add3A_449 : i32
        %dma_start3A_451 = arith.constant 0 : i32
        %dma_start3A_452 = arith.constant 0 : i32
        %dma_start3A_453 = arith.constant 0 : i32
        %dma_start3A_454 = tpu.memref_slice %arg9[%dma_start3A_451, %dma_start3A_452, %dma_start3A_453] : memref<8x50x64xf32, #tpu.memory_space<vmem>> -> memref<1x50x64xf32, #tpu.memory_space<vmem>>
        %dma_start3A_455 = tpu.memref_squeeze %dma_start3A_454 : memref<1x50x64xf32, #tpu.memory_space<vmem>> -> memref<50x64xf32, #tpu.memory_space<vmem>>
        %dma_start3A_456 = arith.constant 0 : i32
        %dma_start3A_457 = tpu.memref_slice %arg5[%add3A_450, %dma_start3A_456] : memref<128x50xi32, #tpu.memory_space<vmem>> -> memref<1x50xi32, #tpu.memory_space<vmem>>
        %dma_start3A_458 = tpu.memref_squeeze %dma_start3A_457 : memref<1x50xi32, #tpu.memory_space<vmem>> -> memref<50xi32, #tpu.memory_space<vmem>>
        %dma_start3A_459 = arith.constant 0 : i32
        %dma_start3A_460 = arith.constant 0 : i32
        %dma_start3A_461 = tpu.memref_slice %arg3[%dma_start3A_459, %dma_start3A_460] : memref<100000x64xf32, #tpu.memory_space<hbm>> -> memref<100000x64xf32, #tpu.memory_space<hbm>>
        tpu.enqueue_indirect_dma source(%dma_start3A_461 : memref<100000x64xf32, #tpu.memory_space<hbm>>) target(%dma_start3A_455 : memref<50x64xf32, #tpu.memory_space<vmem>>) offsets(%dma_start3A_458 : memref<50xi32, #tpu.memory_space<vmem>>) semaphore(%arg13 : memref<!tpu.dma_semaphore, #tpu.memory_space<semaphore_mem>>)
        %mul3A_462 = arith.constant 8 : i32
        %mul3A_463 = arith.muli %sub3A_350, %mul3A_462 : i32
        %add3A_464 = arith.constant 1 : i32
        %add3A_465 = arith.addi %mul3A_463, %add3A_464 : i32
        %dma_start3A_466 = arith.constant 1 : i32
        %dma_start3A_467 = arith.constant 0 : i32
        %dma_start3A_468 = arith.constant 0 : i32
        %dma_start3A_469 = tpu.memref_slice %arg9[%dma_start3A_466, %dma_start3A_467, %dma_start3A_468] : memref<8x50x64xf32, #tpu.memory_space<vmem>> -> memref<1x50x64xf32, #tpu.memory_space<vmem>>
        %dma_start3A_470 = tpu.memref_squeeze %dma_start3A_469 : memref<1x50x64xf32, #tpu.memory_space<vmem>> -> memref<50x64xf32, #tpu.memory_space<vmem>>
        %dma_start3A_471 = arith.constant 0 : i32
        %dma_start3A_472 = tpu.memref_slice %arg5[%add3A_465, %dma_start3A_471] : memref<128x50xi32, #tpu.memory_space<vmem>> -> memref<1x50xi32, #tpu.memory_space<vmem>>
        %dma_start3A_473 = tpu.memref_squeeze %dma_start3A_472 : memref<1x50xi32, #tpu.memory_space<vmem>> -> memref<50xi32, #tpu.memory_space<vmem>>
        %dma_start3A_474 = arith.constant 0 : i32
        %dma_start3A_475 = arith.constant 0 : i32
        %dma_start3A_476 = tpu.memref_slice %arg3[%dma_start3A_474, %dma_start3A_475] : memref<100000x64xf32, #tpu.memory_space<hbm>> -> memref<100000x64xf32, #tpu.memory_space<hbm>>
        tpu.enqueue_indirect_dma source(%dma_start3A_476 : memref<100000x64xf32, #tpu.memory_space<hbm>>) target(%dma_start3A_470 : memref<50x64xf32, #tpu.memory_space<vmem>>) offsets(%dma_start3A_473 : memref<50xi32, #tpu.memory_space<vmem>>) semaphore(%arg13 : memref<!tpu.dma_semaphore, #tpu.memory_space<semaphore_mem>>)
        %mul3A_477 = arith.constant 8 : i32
        %mul3A_478 = arith.muli %sub3A_350, %mul3A_477 : i32
        %add3A_479 = arith.constant 2 : i32
        %add3A_480 = arith.addi %mul3A_478, %add3A_479 : i32
        %dma_start3A_481 = arith.constant 2 : i32
        %dma_start3A_482 = arith.constant 0 : i32
        %dma_start3A_483 = arith.constant 0 : i32
        %dma_start3A_484 = tpu.memref_slice %arg9[%dma_start3A_481, %dma_start3A_482, %dma_start3A_483] : memref<8x50x64xf32, #tpu.memory_space<vmem>> -> memref<1x50x64xf32, #tpu.memory_space<vmem>>
        %dma_start3A_485 = tpu.memref_squeeze %dma_start3A_484 : memref<1x50x64xf32, #tpu.memory_space<vmem>> -> memref<50x64xf32, #tpu.memory_space<vmem>>
        %dma_start3A_486 = arith.constant 0 : i32
        %dma_start3A_487 = tpu.memref_slice %arg5[%add3A_480, %dma_start3A_486] : memref<128x50xi32, #tpu.memory_space<vmem>> -> memref<1x50xi32, #tpu.memory_space<vmem>>
        %dma_start3A_488 = tpu.memref_squeeze %dma_start3A_487 : memref<1x50xi32, #tpu.memory_space<vmem>> -> memref<50xi32, #tpu.memory_space<vmem>>
        %dma_start3A_489 = arith.constant 0 : i32
        %dma_start3A_490 = arith.constant 0 : i32
        %dma_start3A_491 = tpu.memref_slice %arg3[%dma_start3A_489, %dma_start3A_490] : memref<100000x64xf32, #tpu.memory_space<hbm>> -> memref<100000x64xf32, #tpu.memory_space<hbm>>
        tpu.enqueue_indirect_dma source(%dma_start3A_491 : memref<100000x64xf32, #tpu.memory_space<hbm>>) target(%dma_start3A_485 : memref<50x64xf32, #tpu.memory_space<vmem>>) offsets(%dma_start3A_488 : memref<50xi32, #tpu.memory_space<vmem>>) semaphore(%arg13 : memref<!tpu.dma_semaphore, #tpu.memory_space<semaphore_mem>>)
        %mul3A_492 = arith.constant 8 : i32
        %mul3A_493 = arith.muli %sub3A_350, %mul3A_492 : i32
        %add3A_494 = arith.constant 3 : i32
        %add3A_495 = arith.addi %mul3A_493, %add3A_494 : i32
        %dma_start3A_496 = arith.constant 3 : i32
        %dma_start3A_497 = arith.constant 0 : i32
        %dma_start3A_498 = arith.constant 0 : i32
        %dma_start3A_499 = tpu.memref_slice %arg9[%dma_start3A_496, %dma_start3A_497, %dma_start3A_498] : memref<8x50x64xf32, #tpu.memory_space<vmem>> -> memref<1x50x64xf32, #tpu.memory_space<vmem>>
        %dma_start3A_500 = tpu.memref_squeeze %dma_start3A_499 : memref<1x50x64xf32, #tpu.memory_space<vmem>> -> memref<50x64xf32, #tpu.memory_space<vmem>>
        %dma_start3A_501 = arith.constant 0 : i32
        %dma_start3A_502 = tpu.memref_slice %arg5[%add3A_495, %dma_start3A_501] : memref<128x50xi32, #tpu.memory_space<vmem>> -> memref<1x50xi32, #tpu.memory_space<vmem>>
        %dma_start3A_503 = tpu.memref_squeeze %dma_start3A_502 : memref<1x50xi32, #tpu.memory_space<vmem>> -> memref<50xi32, #tpu.memory_space<vmem>>
        %dma_start3A_504 = arith.constant 0 : i32
        %dma_start3A_505 = arith.constant 0 : i32
        %dma_start3A_506 = tpu.memref_slice %arg3[%dma_start3A_504, %dma_start3A_505] : memref<100000x64xf32, #tpu.memory_space<hbm>> -> memref<100000x64xf32, #tpu.memory_space<hbm>>
        tpu.enqueue_indirect_dma source(%dma_start3A_506 : memref<100000x64xf32, #tpu.memory_space<hbm>>) target(%dma_start3A_500 : memref<50x64xf32, #tpu.memory_space<vmem>>) offsets(%dma_start3A_503 : memref<50xi32, #tpu.memory_space<vmem>>) semaphore(%arg13 : memref<!tpu.dma_semaphore, #tpu.memory_space<semaphore_mem>>)
        %mul3A_507 = arith.constant 8 : i32
        %mul3A_508 = arith.muli %sub3A_350, %mul3A_507 : i32
        %add3A_509 = arith.constant 4 : i32
        %add3A_510 = arith.addi %mul3A_508, %add3A_509 : i32
        %dma_start3A_511 = arith.constant 4 : i32
        %dma_start3A_512 = arith.constant 0 : i32
        %dma_start3A_513 = arith.constant 0 : i32
        %dma_start3A_514 = tpu.memref_slice %arg9[%dma_start3A_511, %dma_start3A_512, %dma_start3A_513] : memref<8x50x64xf32, #tpu.memory_space<vmem>> -> memref<1x50x64xf32, #tpu.memory_space<vmem>>
        %dma_start3A_515 = tpu.memref_squeeze %dma_start3A_514 : memref<1x50x64xf32, #tpu.memory_space<vmem>> -> memref<50x64xf32, #tpu.memory_space<vmem>>
        %dma_start3A_516 = arith.constant 0 : i32
        %dma_start3A_517 = tpu.memref_slice %arg5[%add3A_510, %dma_start3A_516] : memref<128x50xi32, #tpu.memory_space<vmem>> -> memref<1x50xi32, #tpu.memory_space<vmem>>
        %dma_start3A_518 = tpu.memref_squeeze %dma_start3A_517 : memref<1x50xi32, #tpu.memory_space<vmem>> -> memref<50xi32, #tpu.memory_space<vmem>>
        %dma_start3A_519 = arith.constant 0 : i32
        %dma_start3A_520 = arith.constant 0 : i32
        %dma_start3A_521 = tpu.memref_slice %arg3[%dma_start3A_519, %dma_start3A_520] : memref<100000x64xf32, #tpu.memory_space<hbm>> -> memref<100000x64xf32, #tpu.memory_space<hbm>>
        tpu.enqueue_indirect_dma source(%dma_start3A_521 : memref<100000x64xf32, #tpu.memory_space<hbm>>) target(%dma_start3A_515 : memref<50x64xf32, #tpu.memory_space<vmem>>) offsets(%dma_start3A_518 : memref<50xi32, #tpu.memory_space<vmem>>) semaphore(%arg13 : memref<!tpu.dma_semaphore, #tpu.memory_space<semaphore_mem>>)
        %mul3A_522 = arith.constant 8 : i32
        %mul3A_523 = arith.muli %sub3A_350, %mul3A_522 : i32
        %add3A_524 = arith.constant 5 : i32
        %add3A_525 = arith.addi %mul3A_523, %add3A_524 : i32
        %dma_start3A_526 = arith.constant 5 : i32
        %dma_start3A_527 = arith.constant 0 : i32
        %dma_start3A_528 = arith.constant 0 : i32
        %dma_start3A_529 = tpu.memref_slice %arg9[%dma_start3A_526, %dma_start3A_527, %dma_start3A_528] : memref<8x50x64xf32, #tpu.memory_space<vmem>> -> memref<1x50x64xf32, #tpu.memory_space<vmem>>
        %dma_start3A_530 = tpu.memref_squeeze %dma_start3A_529 : memref<1x50x64xf32, #tpu.memory_space<vmem>> -> memref<50x64xf32, #tpu.memory_space<vmem>>
        %dma_start3A_531 = arith.constant 0 : i32
        %dma_start3A_532 = tpu.memref_slice %arg5[%add3A_525, %dma_start3A_531] : memref<128x50xi32, #tpu.memory_space<vmem>> -> memref<1x50xi32, #tpu.memory_space<vmem>>
        %dma_start3A_533 = tpu.memref_squeeze %dma_start3A_532 : memref<1x50xi32, #tpu.memory_space<vmem>> -> memref<50xi32, #tpu.memory_space<vmem>>
        %dma_start3A_534 = arith.constant 0 : i32
        %dma_start3A_535 = arith.constant 0 : i32
        %dma_start3A_536 = tpu.memref_slice %arg3[%dma_start3A_534, %dma_start3A_535] : memref<100000x64xf32, #tpu.memory_space<hbm>> -> memref<100000x64xf32, #tpu.memory_space<hbm>>
        tpu.enqueue_indirect_dma source(%dma_start3A_536 : memref<100000x64xf32, #tpu.memory_space<hbm>>) target(%dma_start3A_530 : memref<50x64xf32, #tpu.memory_space<vmem>>) offsets(%dma_start3A_533 : memref<50xi32, #tpu.memory_space<vmem>>) semaphore(%arg13 : memref<!tpu.dma_semaphore, #tpu.memory_space<semaphore_mem>>)
        %mul3A_537 = arith.constant 8 : i32
        %mul3A_538 = arith.muli %sub3A_350, %mul3A_537 : i32
        %add3A_539 = arith.constant 6 : i32
        %add3A_540 = arith.addi %mul3A_538, %add3A_539 : i32
        %dma_start3A_541 = arith.constant 6 : i32
        %dma_start3A_542 = arith.constant 0 : i32
        %dma_start3A_543 = arith.constant 0 : i32
        %dma_start3A_544 = tpu.memref_slice %arg9[%dma_start3A_541, %dma_start3A_542, %dma_start3A_543] : memref<8x50x64xf32, #tpu.memory_space<vmem>> -> memref<1x50x64xf32, #tpu.memory_space<vmem>>
        %dma_start3A_545 = tpu.memref_squeeze %dma_start3A_544 : memref<1x50x64xf32, #tpu.memory_space<vmem>> -> memref<50x64xf32, #tpu.memory_space<vmem>>
        %dma_start3A_546 = arith.constant 0 : i32
        %dma_start3A_547 = tpu.memref_slice %arg5[%add3A_540, %dma_start3A_546] : memref<128x50xi32, #tpu.memory_space<vmem>> -> memref<1x50xi32, #tpu.memory_space<vmem>>
        %dma_start3A_548 = tpu.memref_squeeze %dma_start3A_547 : memref<1x50xi32, #tpu.memory_space<vmem>> -> memref<50xi32, #tpu.memory_space<vmem>>
        %dma_start3A_549 = arith.constant 0 : i32
        %dma_start3A_550 = arith.constant 0 : i32
        %dma_start3A_551 = tpu.memref_slice %arg3[%dma_start3A_549, %dma_start3A_550] : memref<100000x64xf32, #tpu.memory_space<hbm>> -> memref<100000x64xf32, #tpu.memory_space<hbm>>
        tpu.enqueue_indirect_dma source(%dma_start3A_551 : memref<100000x64xf32, #tpu.memory_space<hbm>>) target(%dma_start3A_545 : memref<50x64xf32, #tpu.memory_space<vmem>>) offsets(%dma_start3A_548 : memref<50xi32, #tpu.memory_space<vmem>>) semaphore(%arg13 : memref<!tpu.dma_semaphore, #tpu.memory_space<semaphore_mem>>)
        %mul3A_552 = arith.constant 8 : i32
        %mul3A_553 = arith.muli %sub3A_350, %mul3A_552 : i32
        %add3A_554 = arith.constant 7 : i32
        %add3A_555 = arith.addi %mul3A_553, %add3A_554 : i32
        %dma_start3A_556 = arith.constant 7 : i32
        %dma_start3A_557 = arith.constant 0 : i32
        %dma_start3A_558 = arith.constant 0 : i32
        %dma_start3A_559 = tpu.memref_slice %arg9[%dma_start3A_556, %dma_start3A_557, %dma_start3A_558] : memref<8x50x64xf32, #tpu.memory_space<vmem>> -> memref<1x50x64xf32, #tpu.memory_space<vmem>>
        %dma_start3A_560 = tpu.memref_squeeze %dma_start3A_559 : memref<1x50x64xf32, #tpu.memory_space<vmem>> -> memref<50x64xf32, #tpu.memory_space<vmem>>
        %dma_start3A_561 = arith.constant 0 : i32
        %dma_start3A_562 = tpu.memref_slice %arg5[%add3A_555, %dma_start3A_561] : memref<128x50xi32, #tpu.memory_space<vmem>> -> memref<1x50xi32, #tpu.memory_space<vmem>>
        %dma_start3A_563 = tpu.memref_squeeze %dma_start3A_562 : memref<1x50xi32, #tpu.memory_space<vmem>> -> memref<50xi32, #tpu.memory_space<vmem>>
        %dma_start3A_564 = arith.constant 0 : i32
        %dma_start3A_565 = arith.constant 0 : i32
        %dma_start3A_566 = tpu.memref_slice %arg3[%dma_start3A_564, %dma_start3A_565] : memref<100000x64xf32, #tpu.memory_space<hbm>> -> memref<100000x64xf32, #tpu.memory_space<hbm>>
        tpu.enqueue_indirect_dma source(%dma_start3A_566 : memref<100000x64xf32, #tpu.memory_space<hbm>>) target(%dma_start3A_560 : memref<50x64xf32, #tpu.memory_space<vmem>>) offsets(%dma_start3A_563 : memref<50xi32, #tpu.memory_space<vmem>>) semaphore(%arg13 : memref<!tpu.dma_semaphore, #tpu.memory_space<semaphore_mem>>)
      } else {
      }
      %mul3A_353 = arith.constant 4 : i32
      %mul3A_354 = arith.muli %mul3A_353, %scan3A_326 : i32
      %add3A_355 = arith.constant 1 : i32
      %add3A_356 = arith.addi %mul3A_354, %add3A_355 : i32
      %dma_wait3A_357 = arith.constant 0 : i32
      %dma_wait3A_358 = arith.constant 0 : i32
      %dma_wait3A_359 = arith.constant 0 : i32
      %dma_wait3A_360 = tpu.memref_slice %arg4[%dma_wait3A_357, %dma_wait3A_358, %dma_wait3A_359] : memref<4096x56x128xf32, #tpu.memory_space<hbm>> -> memref<8x50x64xf32, #tpu.memory_space<hbm>>
      %dma_wait3A_361 = arith.constant 0 : i32
      %dma_wait3A_362 = arith.constant 0 : i32
      %dma_wait3A_363 = arith.constant 0 : i32
      %dma_wait3A_364 = tpu.memref_slice %arg4[%dma_wait3A_361, %dma_wait3A_362, %dma_wait3A_363] : memref<4096x56x128xf32, #tpu.memory_space<hbm>> -> memref<8x50x64xf32, #tpu.memory_space<hbm>>
      tpu.wait_dma2 semaphore(%arg11 : memref<!tpu.dma_semaphore, #tpu.memory_space<semaphore_mem>>) src(%dma_wait3A_364 : memref<8x50x64xf32, #tpu.memory_space<hbm>>) dst(%arg7 : memref<8x50x64xf32, #tpu.memory_space<vmem>>)
      %mul3A_365 = arith.constant 8 : i32
      %mul3A_366 = arith.muli %add3A_356, %mul3A_365 : i32
      %add3A_367 = arith.addi %mul3A_2, %mul3A_366 : i32
      %dma_start3A_368 = arith.constant 0 : i32
      %dma_start3A_369 = arith.constant 0 : i32
      %dma_start3A_370 = tpu.memref_slice %arg4[%add3A_367, %dma_start3A_368, %dma_start3A_369] : memref<4096x56x128xf32, #tpu.memory_space<hbm>> -> memref<8x50x64xf32, #tpu.memory_space<hbm>>
      %dma_start3A_371 = arith.constant 0 : i32
      %dma_start3A_372 = arith.constant 0 : i32
      %dma_start3A_373 = tpu.memref_slice %arg4[%add3A_367, %dma_start3A_371, %dma_start3A_372] : memref<4096x56x128xf32, #tpu.memory_space<hbm>> -> memref<8x50x64xf32, #tpu.memory_space<hbm>>
      tpu.enqueue_dma source(%arg7 : memref<8x50x64xf32, #tpu.memory_space<vmem>>) target(%dma_start3A_373 : memref<8x50x64xf32, #tpu.memory_space<hbm>>) target_semaphore(%arg15 : memref<!tpu.dma_semaphore, #tpu.memory_space<semaphore_mem>>)
      %add3A_374 = arith.constant 4 : i32
      %add3A_375 = arith.addi %add3A_356, %add3A_374 : i32
      %sub3A_376 = arith.constant 1 : i32
      %sub3A_377 = arith.subi %add3A_375, %sub3A_376 : i32
      %lt3A_378 = arith.constant 16 : i32
      %lt3A_379 = arith.cmpi slt, %sub3A_377, %lt3A_378 : i32
      %convert_element_type3A_380 = arith.extui %lt3A_379 : i1 to i32
      %cond3A_381 = arith.constant 0 : i32
      %cond3A_382 = arith.cmpi ne, %convert_element_type3A_380, %cond3A_381 : i32
      scf.if %cond3A_382 {
        %ge3A = arith.constant 4 : i32
        %ge3A_443 = arith.cmpi sge, %sub3A_377, %ge3A : i32
        %convert_element_type3A_444 = arith.extui %ge3A_443 : i1 to i32
        %cond3A_445 = arith.constant 0 : i32
        %cond3A_446 = arith.cmpi ne, %convert_element_type3A_444, %cond3A_445 : i32
        scf.if %cond3A_446 {
          %dma_wait3A_567 = arith.constant 0 : i32
          %dma_wait3A_568 = arith.constant 0 : i32
          %dma_wait3A_569 = arith.constant 0 : i32
          %dma_wait3A_570 = tpu.memref_slice %arg4[%dma_wait3A_567, %dma_wait3A_568, %dma_wait3A_569] : memref<4096x56x128xf32, #tpu.memory_space<hbm>> -> memref<8x50x64xf32, #tpu.memory_space<hbm>>
          %dma_wait3A_571 = arith.constant 0 : i32
          %dma_wait3A_572 = arith.constant 0 : i32
          %dma_wait3A_573 = arith.constant 0 : i32
          %dma_wait3A_574 = tpu.memref_slice %arg4[%dma_wait3A_571, %dma_wait3A_572, %dma_wait3A_573] : memref<4096x56x128xf32, #tpu.memory_space<hbm>> -> memref<8x50x64xf32, #tpu.memory_space<hbm>>
          tpu.wait_dma2 semaphore(%arg14 : memref<!tpu.dma_semaphore, #tpu.memory_space<semaphore_mem>>) src(%dma_wait3A_574 : memref<8x50x64xf32, #tpu.memory_space<hbm>>) dst(%arg6 : memref<8x50x64xf32, #tpu.memory_space<vmem>>)
        } else {
        }
        %mul3A_447 = arith.constant 8 : i32
        %mul3A_448 = arith.muli %sub3A_377, %mul3A_447 : i32
        %add3A_449 = arith.constant 0 : i32
        %add3A_450 = arith.addi %mul3A_448, %add3A_449 : i32
        %dma_start3A_451 = arith.constant 0 : i32
        %dma_start3A_452 = arith.constant 0 : i32
        %dma_start3A_453 = arith.constant 0 : i32
        %dma_start3A_454 = tpu.memref_slice %arg6[%dma_start3A_451, %dma_start3A_452, %dma_start3A_453] : memref<8x50x64xf32, #tpu.memory_space<vmem>> -> memref<1x50x64xf32, #tpu.memory_space<vmem>>
        %dma_start3A_455 = tpu.memref_squeeze %dma_start3A_454 : memref<1x50x64xf32, #tpu.memory_space<vmem>> -> memref<50x64xf32, #tpu.memory_space<vmem>>
        %dma_start3A_456 = arith.constant 0 : i32
        %dma_start3A_457 = tpu.memref_slice %arg5[%add3A_450, %dma_start3A_456] : memref<128x50xi32, #tpu.memory_space<vmem>> -> memref<1x50xi32, #tpu.memory_space<vmem>>
        %dma_start3A_458 = tpu.memref_squeeze %dma_start3A_457 : memref<1x50xi32, #tpu.memory_space<vmem>> -> memref<50xi32, #tpu.memory_space<vmem>>
        %dma_start3A_459 = arith.constant 0 : i32
        %dma_start3A_460 = arith.constant 0 : i32
        %dma_start3A_461 = tpu.memref_slice %arg3[%dma_start3A_459, %dma_start3A_460] : memref<100000x64xf32, #tpu.memory_space<hbm>> -> memref<100000x64xf32, #tpu.memory_space<hbm>>
        tpu.enqueue_indirect_dma source(%dma_start3A_461 : memref<100000x64xf32, #tpu.memory_space<hbm>>) target(%dma_start3A_455 : memref<50x64xf32, #tpu.memory_space<vmem>>) offsets(%dma_start3A_458 : memref<50xi32, #tpu.memory_space<vmem>>) semaphore(%arg10 : memref<!tpu.dma_semaphore, #tpu.memory_space<semaphore_mem>>)
        %mul3A_462 = arith.constant 8 : i32
        %mul3A_463 = arith.muli %sub3A_377, %mul3A_462 : i32
        %add3A_464 = arith.constant 1 : i32
        %add3A_465 = arith.addi %mul3A_463, %add3A_464 : i32
        %dma_start3A_466 = arith.constant 1 : i32
        %dma_start3A_467 = arith.constant 0 : i32
        %dma_start3A_468 = arith.constant 0 : i32
        %dma_start3A_469 = tpu.memref_slice %arg6[%dma_start3A_466, %dma_start3A_467, %dma_start3A_468] : memref<8x50x64xf32, #tpu.memory_space<vmem>> -> memref<1x50x64xf32, #tpu.memory_space<vmem>>
        %dma_start3A_470 = tpu.memref_squeeze %dma_start3A_469 : memref<1x50x64xf32, #tpu.memory_space<vmem>> -> memref<50x64xf32, #tpu.memory_space<vmem>>
        %dma_start3A_471 = arith.constant 0 : i32
        %dma_start3A_472 = tpu.memref_slice %arg5[%add3A_465, %dma_start3A_471] : memref<128x50xi32, #tpu.memory_space<vmem>> -> memref<1x50xi32, #tpu.memory_space<vmem>>
        %dma_start3A_473 = tpu.memref_squeeze %dma_start3A_472 : memref<1x50xi32, #tpu.memory_space<vmem>> -> memref<50xi32, #tpu.memory_space<vmem>>
        %dma_start3A_474 = arith.constant 0 : i32
        %dma_start3A_475 = arith.constant 0 : i32
        %dma_start3A_476 = tpu.memref_slice %arg3[%dma_start3A_474, %dma_start3A_475] : memref<100000x64xf32, #tpu.memory_space<hbm>> -> memref<100000x64xf32, #tpu.memory_space<hbm>>
        tpu.enqueue_indirect_dma source(%dma_start3A_476 : memref<100000x64xf32, #tpu.memory_space<hbm>>) target(%dma_start3A_470 : memref<50x64xf32, #tpu.memory_space<vmem>>) offsets(%dma_start3A_473 : memref<50xi32, #tpu.memory_space<vmem>>) semaphore(%arg10 : memref<!tpu.dma_semaphore, #tpu.memory_space<semaphore_mem>>)
        %mul3A_477 = arith.constant 8 : i32
        %mul3A_478 = arith.muli %sub3A_377, %mul3A_477 : i32
        %add3A_479 = arith.constant 2 : i32
        %add3A_480 = arith.addi %mul3A_478, %add3A_479 : i32
        %dma_start3A_481 = arith.constant 2 : i32
        %dma_start3A_482 = arith.constant 0 : i32
        %dma_start3A_483 = arith.constant 0 : i32
        %dma_start3A_484 = tpu.memref_slice %arg6[%dma_start3A_481, %dma_start3A_482, %dma_start3A_483] : memref<8x50x64xf32, #tpu.memory_space<vmem>> -> memref<1x50x64xf32, #tpu.memory_space<vmem>>
        %dma_start3A_485 = tpu.memref_squeeze %dma_start3A_484 : memref<1x50x64xf32, #tpu.memory_space<vmem>> -> memref<50x64xf32, #tpu.memory_space<vmem>>
        %dma_start3A_486 = arith.constant 0 : i32
        %dma_start3A_487 = tpu.memref_slice %arg5[%add3A_480, %dma_start3A_486] : memref<128x50xi32, #tpu.memory_space<vmem>> -> memref<1x50xi32, #tpu.memory_space<vmem>>
        %dma_start3A_488 = tpu.memref_squeeze %dma_start3A_487 : memref<1x50xi32, #tpu.memory_space<vmem>> -> memref<50xi32, #tpu.memory_space<vmem>>
        %dma_start3A_489 = arith.constant 0 : i32
        %dma_start3A_490 = arith.constant 0 : i32
        %dma_start3A_491 = tpu.memref_slice %arg3[%dma_start3A_489, %dma_start3A_490] : memref<100000x64xf32, #tpu.memory_space<hbm>> -> memref<100000x64xf32, #tpu.memory_space<hbm>>
        tpu.enqueue_indirect_dma source(%dma_start3A_491 : memref<100000x64xf32, #tpu.memory_space<hbm>>) target(%dma_start3A_485 : memref<50x64xf32, #tpu.memory_space<vmem>>) offsets(%dma_start3A_488 : memref<50xi32, #tpu.memory_space<vmem>>) semaphore(%arg10 : memref<!tpu.dma_semaphore, #tpu.memory_space<semaphore_mem>>)
        %mul3A_492 = arith.constant 8 : i32
        %mul3A_493 = arith.muli %sub3A_377, %mul3A_492 : i32
        %add3A_494 = arith.constant 3 : i32
        %add3A_495 = arith.addi %mul3A_493, %add3A_494 : i32
        %dma_start3A_496 = arith.constant 3 : i32
        %dma_start3A_497 = arith.constant 0 : i32
        %dma_start3A_498 = arith.constant 0 : i32
        %dma_start3A_499 = tpu.memref_slice %arg6[%dma_start3A_496, %dma_start3A_497, %dma_start3A_498] : memref<8x50x64xf32, #tpu.memory_space<vmem>> -> memref<1x50x64xf32, #tpu.memory_space<vmem>>
        %dma_start3A_500 = tpu.memref_squeeze %dma_start3A_499 : memref<1x50x64xf32, #tpu.memory_space<vmem>> -> memref<50x64xf32, #tpu.memory_space<vmem>>
        %dma_start3A_501 = arith.constant 0 : i32
        %dma_start3A_502 = tpu.memref_slice %arg5[%add3A_495, %dma_start3A_501] : memref<128x50xi32, #tpu.memory_space<vmem>> -> memref<1x50xi32, #tpu.memory_space<vmem>>
        %dma_start3A_503 = tpu.memref_squeeze %dma_start3A_502 : memref<1x50xi32, #tpu.memory_space<vmem>> -> memref<50xi32, #tpu.memory_space<vmem>>
        %dma_start3A_504 = arith.constant 0 : i32
        %dma_start3A_505 = arith.constant 0 : i32
        %dma_start3A_506 = tpu.memref_slice %arg3[%dma_start3A_504, %dma_start3A_505] : memref<100000x64xf32, #tpu.memory_space<hbm>> -> memref<100000x64xf32, #tpu.memory_space<hbm>>
        tpu.enqueue_indirect_dma source(%dma_start3A_506 : memref<100000x64xf32, #tpu.memory_space<hbm>>) target(%dma_start3A_500 : memref<50x64xf32, #tpu.memory_space<vmem>>) offsets(%dma_start3A_503 : memref<50xi32, #tpu.memory_space<vmem>>) semaphore(%arg10 : memref<!tpu.dma_semaphore, #tpu.memory_space<semaphore_mem>>)
        %mul3A_507 = arith.constant 8 : i32
        %mul3A_508 = arith.muli %sub3A_377, %mul3A_507 : i32
        %add3A_509 = arith.constant 4 : i32
        %add3A_510 = arith.addi %mul3A_508, %add3A_509 : i32
        %dma_start3A_511 = arith.constant 4 : i32
        %dma_start3A_512 = arith.constant 0 : i32
        %dma_start3A_513 = arith.constant 0 : i32
        %dma_start3A_514 = tpu.memref_slice %arg6[%dma_start3A_511, %dma_start3A_512, %dma_start3A_513] : memref<8x50x64xf32, #tpu.memory_space<vmem>> -> memref<1x50x64xf32, #tpu.memory_space<vmem>>
        %dma_start3A_515 = tpu.memref_squeeze %dma_start3A_514 : memref<1x50x64xf32, #tpu.memory_space<vmem>> -> memref<50x64xf32, #tpu.memory_space<vmem>>
        %dma_start3A_516 = arith.constant 0 : i32
        %dma_start3A_517 = tpu.memref_slice %arg5[%add3A_510, %dma_start3A_516] : memref<128x50xi32, #tpu.memory_space<vmem>> -> memref<1x50xi32, #tpu.memory_space<vmem>>
        %dma_start3A_518 = tpu.memref_squeeze %dma_start3A_517 : memref<1x50xi32, #tpu.memory_space<vmem>> -> memref<50xi32, #tpu.memory_space<vmem>>
        %dma_start3A_519 = arith.constant 0 : i32
        %dma_start3A_520 = arith.constant 0 : i32
        %dma_start3A_521 = tpu.memref_slice %arg3[%dma_start3A_519, %dma_start3A_520] : memref<100000x64xf32, #tpu.memory_space<hbm>> -> memref<100000x64xf32, #tpu.memory_space<hbm>>
        tpu.enqueue_indirect_dma source(%dma_start3A_521 : memref<100000x64xf32, #tpu.memory_space<hbm>>) target(%dma_start3A_515 : memref<50x64xf32, #tpu.memory_space<vmem>>) offsets(%dma_start3A_518 : memref<50xi32, #tpu.memory_space<vmem>>) semaphore(%arg10 : memref<!tpu.dma_semaphore, #tpu.memory_space<semaphore_mem>>)
        %mul3A_522 = arith.constant 8 : i32
        %mul3A_523 = arith.muli %sub3A_377, %mul3A_522 : i32
        %add3A_524 = arith.constant 5 : i32
        %add3A_525 = arith.addi %mul3A_523, %add3A_524 : i32
        %dma_start3A_526 = arith.constant 5 : i32
        %dma_start3A_527 = arith.constant 0 : i32
        %dma_start3A_528 = arith.constant 0 : i32
        %dma_start3A_529 = tpu.memref_slice %arg6[%dma_start3A_526, %dma_start3A_527, %dma_start3A_528] : memref<8x50x64xf32, #tpu.memory_space<vmem>> -> memref<1x50x64xf32, #tpu.memory_space<vmem>>
        %dma_start3A_530 = tpu.memref_squeeze %dma_start3A_529 : memref<1x50x64xf32, #tpu.memory_space<vmem>> -> memref<50x64xf32, #tpu.memory_space<vmem>>
        %dma_start3A_531 = arith.constant 0 : i32
        %dma_start3A_532 = tpu.memref_slice %arg5[%add3A_525, %dma_start3A_531] : memref<128x50xi32, #tpu.memory_space<vmem>> -> memref<1x50xi32, #tpu.memory_space<vmem>>
        %dma_start3A_533 = tpu.memref_squeeze %dma_start3A_532 : memref<1x50xi32, #tpu.memory_space<vmem>> -> memref<50xi32, #tpu.memory_space<vmem>>
        %dma_start3A_534 = arith.constant 0 : i32
        %dma_start3A_535 = arith.constant 0 : i32
        %dma_start3A_536 = tpu.memref_slice %arg3[%dma_start3A_534, %dma_start3A_535] : memref<100000x64xf32, #tpu.memory_space<hbm>> -> memref<100000x64xf32, #tpu.memory_space<hbm>>
        tpu.enqueue_indirect_dma source(%dma_start3A_536 : memref<100000x64xf32, #tpu.memory_space<hbm>>) target(%dma_start3A_530 : memref<50x64xf32, #tpu.memory_space<vmem>>) offsets(%dma_start3A_533 : memref<50xi32, #tpu.memory_space<vmem>>) semaphore(%arg10 : memref<!tpu.dma_semaphore, #tpu.memory_space<semaphore_mem>>)
        %mul3A_537 = arith.constant 8 : i32
        %mul3A_538 = arith.muli %sub3A_377, %mul3A_537 : i32
        %add3A_539 = arith.constant 6 : i32
        %add3A_540 = arith.addi %mul3A_538, %add3A_539 : i32
        %dma_start3A_541 = arith.constant 6 : i32
        %dma_start3A_542 = arith.constant 0 : i32
        %dma_start3A_543 = arith.constant 0 : i32
        %dma_start3A_544 = tpu.memref_slice %arg6[%dma_start3A_541, %dma_start3A_542, %dma_start3A_543] : memref<8x50x64xf32, #tpu.memory_space<vmem>> -> memref<1x50x64xf32, #tpu.memory_space<vmem>>
        %dma_start3A_545 = tpu.memref_squeeze %dma_start3A_544 : memref<1x50x64xf32, #tpu.memory_space<vmem>> -> memref<50x64xf32, #tpu.memory_space<vmem>>
        %dma_start3A_546 = arith.constant 0 : i32
        %dma_start3A_547 = tpu.memref_slice %arg5[%add3A_540, %dma_start3A_546] : memref<128x50xi32, #tpu.memory_space<vmem>> -> memref<1x50xi32, #tpu.memory_space<vmem>>
        %dma_start3A_548 = tpu.memref_squeeze %dma_start3A_547 : memref<1x50xi32, #tpu.memory_space<vmem>> -> memref<50xi32, #tpu.memory_space<vmem>>
        %dma_start3A_549 = arith.constant 0 : i32
        %dma_start3A_550 = arith.constant 0 : i32
        %dma_start3A_551 = tpu.memref_slice %arg3[%dma_start3A_549, %dma_start3A_550] : memref<100000x64xf32, #tpu.memory_space<hbm>> -> memref<100000x64xf32, #tpu.memory_space<hbm>>
        tpu.enqueue_indirect_dma source(%dma_start3A_551 : memref<100000x64xf32, #tpu.memory_space<hbm>>) target(%dma_start3A_545 : memref<50x64xf32, #tpu.memory_space<vmem>>) offsets(%dma_start3A_548 : memref<50xi32, #tpu.memory_space<vmem>>) semaphore(%arg10 : memref<!tpu.dma_semaphore, #tpu.memory_space<semaphore_mem>>)
        %mul3A_552 = arith.constant 8 : i32
        %mul3A_553 = arith.muli %sub3A_377, %mul3A_552 : i32
        %add3A_554 = arith.constant 7 : i32
        %add3A_555 = arith.addi %mul3A_553, %add3A_554 : i32
        %dma_start3A_556 = arith.constant 7 : i32
        %dma_start3A_557 = arith.constant 0 : i32
        %dma_start3A_558 = arith.constant 0 : i32
        %dma_start3A_559 = tpu.memref_slice %arg6[%dma_start3A_556, %dma_start3A_557, %dma_start3A_558] : memref<8x50x64xf32, #tpu.memory_space<vmem>> -> memref<1x50x64xf32, #tpu.memory_space<vmem>>
        %dma_start3A_560 = tpu.memref_squeeze %dma_start3A_559 : memref<1x50x64xf32, #tpu.memory_space<vmem>> -> memref<50x64xf32, #tpu.memory_space<vmem>>
        %dma_start3A_561 = arith.constant 0 : i32
        %dma_start3A_562 = tpu.memref_slice %arg5[%add3A_555, %dma_start3A_561] : memref<128x50xi32, #tpu.memory_space<vmem>> -> memref<1x50xi32, #tpu.memory_space<vmem>>
        %dma_start3A_563 = tpu.memref_squeeze %dma_start3A_562 : memref<1x50xi32, #tpu.memory_space<vmem>> -> memref<50xi32, #tpu.memory_space<vmem>>
        %dma_start3A_564 = arith.constant 0 : i32
        %dma_start3A_565 = arith.constant 0 : i32
        %dma_start3A_566 = tpu.memref_slice %arg3[%dma_start3A_564, %dma_start3A_565] : memref<100000x64xf32, #tpu.memory_space<hbm>> -> memref<100000x64xf32, #tpu.memory_space<hbm>>
        tpu.enqueue_indirect_dma source(%dma_start3A_566 : memref<100000x64xf32, #tpu.memory_space<hbm>>) target(%dma_start3A_560 : memref<50x64xf32, #tpu.memory_space<vmem>>) offsets(%dma_start3A_563 : memref<50xi32, #tpu.memory_space<vmem>>) semaphore(%arg10 : memref<!tpu.dma_semaphore, #tpu.memory_space<semaphore_mem>>)
      } else {
      }
      %mul3A_383 = arith.constant 4 : i32
      %mul3A_384 = arith.muli %mul3A_383, %scan3A_326 : i32
      %add3A_385 = arith.constant 2 : i32
      %add3A_386 = arith.addi %mul3A_384, %add3A_385 : i32
      %dma_wait3A_387 = arith.constant 0 : i32
      %dma_wait3A_388 = arith.constant 0 : i32
      %dma_wait3A_389 = arith.constant 0 : i32
      %dma_wait3A_390 = tpu.memref_slice %arg4[%dma_wait3A_387, %dma_wait3A_388, %dma_wait3A_389] : memref<4096x56x128xf32, #tpu.memory_space<hbm>> -> memref<8x50x64xf32, #tpu.memory_space<hbm>>
      %dma_wait3A_391 = arith.constant 0 : i32
      %dma_wait3A_392 = arith.constant 0 : i32
      %dma_wait3A_393 = arith.constant 0 : i32
      %dma_wait3A_394 = tpu.memref_slice %arg4[%dma_wait3A_391, %dma_wait3A_392, %dma_wait3A_393] : memref<4096x56x128xf32, #tpu.memory_space<hbm>> -> memref<8x50x64xf32, #tpu.memory_space<hbm>>
      tpu.wait_dma2 semaphore(%arg12 : memref<!tpu.dma_semaphore, #tpu.memory_space<semaphore_mem>>) src(%dma_wait3A_394 : memref<8x50x64xf32, #tpu.memory_space<hbm>>) dst(%arg8 : memref<8x50x64xf32, #tpu.memory_space<vmem>>)
      %mul3A_395 = arith.constant 8 : i32
      %mul3A_396 = arith.muli %add3A_386, %mul3A_395 : i32
      %add3A_397 = arith.addi %mul3A_2, %mul3A_396 : i32
      %dma_start3A_398 = arith.constant 0 : i32
      %dma_start3A_399 = arith.constant 0 : i32
      %dma_start3A_400 = tpu.memref_slice %arg4[%add3A_397, %dma_start3A_398, %dma_start3A_399] : memref<4096x56x128xf32, #tpu.memory_space<hbm>> -> memref<8x50x64xf32, #tpu.memory_space<hbm>>
      %dma_start3A_401 = arith.constant 0 : i32
      %dma_start3A_402 = arith.constant 0 : i32
      %dma_start3A_403 = tpu.memref_slice %arg4[%add3A_397, %dma_start3A_401, %dma_start3A_402] : memref<4096x56x128xf32, #tpu.memory_space<hbm>> -> memref<8x50x64xf32, #tpu.memory_space<hbm>>
      tpu.enqueue_dma source(%arg8 : memref<8x50x64xf32, #tpu.memory_space<vmem>>) target(%dma_start3A_403 : memref<8x50x64xf32, #tpu.memory_space<hbm>>) target_semaphore(%arg16 : memref<!tpu.dma_semaphore, #tpu.memory_space<semaphore_mem>>)
      %add3A_404 = arith.constant 4 : i32
      %add3A_405 = arith.addi %add3A_386, %add3A_404 : i32
      %sub3A_406 = arith.constant 1 : i32
      %sub3A_407 = arith.subi %add3A_405, %sub3A_406 : i32
      %lt3A_408 = arith.constant 16 : i32
      %lt3A_409 = arith.cmpi slt, %sub3A_407, %lt3A_408 : i32
      %convert_element_type3A_410 = arith.extui %lt3A_409 : i1 to i32
      %cond3A_411 = arith.constant 0 : i32
      %cond3A_412 = arith.cmpi ne, %convert_element_type3A_410, %cond3A_411 : i32
      scf.if %cond3A_412 {
        %ge3A = arith.constant 4 : i32
        %ge3A_443 = arith.cmpi sge, %sub3A_407, %ge3A : i32
        %convert_element_type3A_444 = arith.extui %ge3A_443 : i1 to i32
        %cond3A_445 = arith.constant 0 : i32
        %cond3A_446 = arith.cmpi ne, %convert_element_type3A_444, %cond3A_445 : i32
        scf.if %cond3A_446 {
          %dma_wait3A_567 = arith.constant 0 : i32
          %dma_wait3A_568 = arith.constant 0 : i32
          %dma_wait3A_569 = arith.constant 0 : i32
          %dma_wait3A_570 = tpu.memref_slice %arg4[%dma_wait3A_567, %dma_wait3A_568, %dma_wait3A_569] : memref<4096x56x128xf32, #tpu.memory_space<hbm>> -> memref<8x50x64xf32, #tpu.memory_space<hbm>>
          %dma_wait3A_571 = arith.constant 0 : i32
          %dma_wait3A_572 = arith.constant 0 : i32
          %dma_wait3A_573 = arith.constant 0 : i32
          %dma_wait3A_574 = tpu.memref_slice %arg4[%dma_wait3A_571, %dma_wait3A_572, %dma_wait3A_573] : memref<4096x56x128xf32, #tpu.memory_space<hbm>> -> memref<8x50x64xf32, #tpu.memory_space<hbm>>
          tpu.wait_dma2 semaphore(%arg15 : memref<!tpu.dma_semaphore, #tpu.memory_space<semaphore_mem>>) src(%dma_wait3A_574 : memref<8x50x64xf32, #tpu.memory_space<hbm>>) dst(%arg7 : memref<8x50x64xf32, #tpu.memory_space<vmem>>)
        } else {
        }
        %mul3A_447 = arith.constant 8 : i32
        %mul3A_448 = arith.muli %sub3A_407, %mul3A_447 : i32
        %add3A_449 = arith.constant 0 : i32
        %add3A_450 = arith.addi %mul3A_448, %add3A_449 : i32
        %dma_start3A_451 = arith.constant 0 : i32
        %dma_start3A_452 = arith.constant 0 : i32
        %dma_start3A_453 = arith.constant 0 : i32
        %dma_start3A_454 = tpu.memref_slice %arg7[%dma_start3A_451, %dma_start3A_452, %dma_start3A_453] : memref<8x50x64xf32, #tpu.memory_space<vmem>> -> memref<1x50x64xf32, #tpu.memory_space<vmem>>
        %dma_start3A_455 = tpu.memref_squeeze %dma_start3A_454 : memref<1x50x64xf32, #tpu.memory_space<vmem>> -> memref<50x64xf32, #tpu.memory_space<vmem>>
        %dma_start3A_456 = arith.constant 0 : i32
        %dma_start3A_457 = tpu.memref_slice %arg5[%add3A_450, %dma_start3A_456] : memref<128x50xi32, #tpu.memory_space<vmem>> -> memref<1x50xi32, #tpu.memory_space<vmem>>
        %dma_start3A_458 = tpu.memref_squeeze %dma_start3A_457 : memref<1x50xi32, #tpu.memory_space<vmem>> -> memref<50xi32, #tpu.memory_space<vmem>>
        %dma_start3A_459 = arith.constant 0 : i32
        %dma_start3A_460 = arith.constant 0 : i32
        %dma_start3A_461 = tpu.memref_slice %arg3[%dma_start3A_459, %dma_start3A_460] : memref<100000x64xf32, #tpu.memory_space<hbm>> -> memref<100000x64xf32, #tpu.memory_space<hbm>>
        tpu.enqueue_indirect_dma source(%dma_start3A_461 : memref<100000x64xf32, #tpu.memory_space<hbm>>) target(%dma_start3A_455 : memref<50x64xf32, #tpu.memory_space<vmem>>) offsets(%dma_start3A_458 : memref<50xi32, #tpu.memory_space<vmem>>) semaphore(%arg11 : memref<!tpu.dma_semaphore, #tpu.memory_space<semaphore_mem>>)
        %mul3A_462 = arith.constant 8 : i32
        %mul3A_463 = arith.muli %sub3A_407, %mul3A_462 : i32
        %add3A_464 = arith.constant 1 : i32
        %add3A_465 = arith.addi %mul3A_463, %add3A_464 : i32
        %dma_start3A_466 = arith.constant 1 : i32
        %dma_start3A_467 = arith.constant 0 : i32
        %dma_start3A_468 = arith.constant 0 : i32
        %dma_start3A_469 = tpu.memref_slice %arg7[%dma_start3A_466, %dma_start3A_467, %dma_start3A_468] : memref<8x50x64xf32, #tpu.memory_space<vmem>> -> memref<1x50x64xf32, #tpu.memory_space<vmem>>
        %dma_start3A_470 = tpu.memref_squeeze %dma_start3A_469 : memref<1x50x64xf32, #tpu.memory_space<vmem>> -> memref<50x64xf32, #tpu.memory_space<vmem>>
        %dma_start3A_471 = arith.constant 0 : i32
        %dma_start3A_472 = tpu.memref_slice %arg5[%add3A_465, %dma_start3A_471] : memref<128x50xi32, #tpu.memory_space<vmem>> -> memref<1x50xi32, #tpu.memory_space<vmem>>
        %dma_start3A_473 = tpu.memref_squeeze %dma_start3A_472 : memref<1x50xi32, #tpu.memory_space<vmem>> -> memref<50xi32, #tpu.memory_space<vmem>>
        %dma_start3A_474 = arith.constant 0 : i32
        %dma_start3A_475 = arith.constant 0 : i32
        %dma_start3A_476 = tpu.memref_slice %arg3[%dma_start3A_474, %dma_start3A_475] : memref<100000x64xf32, #tpu.memory_space<hbm>> -> memref<100000x64xf32, #tpu.memory_space<hbm>>
        tpu.enqueue_indirect_dma source(%dma_start3A_476 : memref<100000x64xf32, #tpu.memory_space<hbm>>) target(%dma_start3A_470 : memref<50x64xf32, #tpu.memory_space<vmem>>) offsets(%dma_start3A_473 : memref<50xi32, #tpu.memory_space<vmem>>) semaphore(%arg11 : memref<!tpu.dma_semaphore, #tpu.memory_space<semaphore_mem>>)
        %mul3A_477 = arith.constant 8 : i32
        %mul3A_478 = arith.muli %sub3A_407, %mul3A_477 : i32
        %add3A_479 = arith.constant 2 : i32
        %add3A_480 = arith.addi %mul3A_478, %add3A_479 : i32
        %dma_start3A_481 = arith.constant 2 : i32
        %dma_start3A_482 = arith.constant 0 : i32
        %dma_start3A_483 = arith.constant 0 : i32
        %dma_start3A_484 = tpu.memref_slice %arg7[%dma_start3A_481, %dma_start3A_482, %dma_start3A_483] : memref<8x50x64xf32, #tpu.memory_space<vmem>> -> memref<1x50x64xf32, #tpu.memory_space<vmem>>
        %dma_start3A_485 = tpu.memref_squeeze %dma_start3A_484 : memref<1x50x64xf32, #tpu.memory_space<vmem>> -> memref<50x64xf32, #tpu.memory_space<vmem>>
        %dma_start3A_486 = arith.constant 0 : i32
        %dma_start3A_487 = tpu.memref_slice %arg5[%add3A_480, %dma_start3A_486] : memref<128x50xi32, #tpu.memory_space<vmem>> -> memref<1x50xi32, #tpu.memory_space<vmem>>
        %dma_start3A_488 = tpu.memref_squeeze %dma_start3A_487 : memref<1x50xi32, #tpu.memory_space<vmem>> -> memref<50xi32, #tpu.memory_space<vmem>>
        %dma_start3A_489 = arith.constant 0 : i32
        %dma_start3A_490 = arith.constant 0 : i32
        %dma_start3A_491 = tpu.memref_slice %arg3[%dma_start3A_489, %dma_start3A_490] : memref<100000x64xf32, #tpu.memory_space<hbm>> -> memref<100000x64xf32, #tpu.memory_space<hbm>>
        tpu.enqueue_indirect_dma source(%dma_start3A_491 : memref<100000x64xf32, #tpu.memory_space<hbm>>) target(%dma_start3A_485 : memref<50x64xf32, #tpu.memory_space<vmem>>) offsets(%dma_start3A_488 : memref<50xi32, #tpu.memory_space<vmem>>) semaphore(%arg11 : memref<!tpu.dma_semaphore, #tpu.memory_space<semaphore_mem>>)
        %mul3A_492 = arith.constant 8 : i32
        %mul3A_493 = arith.muli %sub3A_407, %mul3A_492 : i32
        %add3A_494 = arith.constant 3 : i32
        %add3A_495 = arith.addi %mul3A_493, %add3A_494 : i32
        %dma_start3A_496 = arith.constant 3 : i32
        %dma_start3A_497 = arith.constant 0 : i32
        %dma_start3A_498 = arith.constant 0 : i32
        %dma_start3A_499 = tpu.memref_slice %arg7[%dma_start3A_496, %dma_start3A_497, %dma_start3A_498] : memref<8x50x64xf32, #tpu.memory_space<vmem>> -> memref<1x50x64xf32, #tpu.memory_space<vmem>>
        %dma_start3A_500 = tpu.memref_squeeze %dma_start3A_499 : memref<1x50x64xf32, #tpu.memory_space<vmem>> -> memref<50x64xf32, #tpu.memory_space<vmem>>
        %dma_start3A_501 = arith.constant 0 : i32
        %dma_start3A_502 = tpu.memref_slice %arg5[%add3A_495, %dma_start3A_501] : memref<128x50xi32, #tpu.memory_space<vmem>> -> memref<1x50xi32, #tpu.memory_space<vmem>>
        %dma_start3A_503 = tpu.memref_squeeze %dma_start3A_502 : memref<1x50xi32, #tpu.memory_space<vmem>> -> memref<50xi32, #tpu.memory_space<vmem>>
        %dma_start3A_504 = arith.constant 0 : i32
        %dma_start3A_505 = arith.constant 0 : i32
        %dma_start3A_506 = tpu.memref_slice %arg3[%dma_start3A_504, %dma_start3A_505] : memref<100000x64xf32, #tpu.memory_space<hbm>> -> memref<100000x64xf32, #tpu.memory_space<hbm>>
        tpu.enqueue_indirect_dma source(%dma_start3A_506 : memref<100000x64xf32, #tpu.memory_space<hbm>>) target(%dma_start3A_500 : memref<50x64xf32, #tpu.memory_space<vmem>>) offsets(%dma_start3A_503 : memref<50xi32, #tpu.memory_space<vmem>>) semaphore(%arg11 : memref<!tpu.dma_semaphore, #tpu.memory_space<semaphore_mem>>)
        %mul3A_507 = arith.constant 8 : i32
        %mul3A_508 = arith.muli %sub3A_407, %mul3A_507 : i32
        %add3A_509 = arith.constant 4 : i32
        %add3A_510 = arith.addi %mul3A_508, %add3A_509 : i32
        %dma_start3A_511 = arith.constant 4 : i32
        %dma_start3A_512 = arith.constant 0 : i32
        %dma_start3A_513 = arith.constant 0 : i32
        %dma_start3A_514 = tpu.memref_slice %arg7[%dma_start3A_511, %dma_start3A_512, %dma_start3A_513] : memref<8x50x64xf32, #tpu.memory_space<vmem>> -> memref<1x50x64xf32, #tpu.memory_space<vmem>>
        %dma_start3A_515 = tpu.memref_squeeze %dma_start3A_514 : memref<1x50x64xf32, #tpu.memory_space<vmem>> -> memref<50x64xf32, #tpu.memory_space<vmem>>
        %dma_start3A_516 = arith.constant 0 : i32
        %dma_start3A_517 = tpu.memref_slice %arg5[%add3A_510, %dma_start3A_516] : memref<128x50xi32, #tpu.memory_space<vmem>> -> memref<1x50xi32, #tpu.memory_space<vmem>>
        %dma_start3A_518 = tpu.memref_squeeze %dma_start3A_517 : memref<1x50xi32, #tpu.memory_space<vmem>> -> memref<50xi32, #tpu.memory_space<vmem>>
        %dma_start3A_519 = arith.constant 0 : i32
        %dma_start3A_520 = arith.constant 0 : i32
        %dma_start3A_521 = tpu.memref_slice %arg3[%dma_start3A_519, %dma_start3A_520] : memref<100000x64xf32, #tpu.memory_space<hbm>> -> memref<100000x64xf32, #tpu.memory_space<hbm>>
        tpu.enqueue_indirect_dma source(%dma_start3A_521 : memref<100000x64xf32, #tpu.memory_space<hbm>>) target(%dma_start3A_515 : memref<50x64xf32, #tpu.memory_space<vmem>>) offsets(%dma_start3A_518 : memref<50xi32, #tpu.memory_space<vmem>>) semaphore(%arg11 : memref<!tpu.dma_semaphore, #tpu.memory_space<semaphore_mem>>)
        %mul3A_522 = arith.constant 8 : i32
        %mul3A_523 = arith.muli %sub3A_407, %mul3A_522 : i32
        %add3A_524 = arith.constant 5 : i32
        %add3A_525 = arith.addi %mul3A_523, %add3A_524 : i32
        %dma_start3A_526 = arith.constant 5 : i32
        %dma_start3A_527 = arith.constant 0 : i32
        %dma_start3A_528 = arith.constant 0 : i32
        %dma_start3A_529 = tpu.memref_slice %arg7[%dma_start3A_526, %dma_start3A_527, %dma_start3A_528] : memref<8x50x64xf32, #tpu.memory_space<vmem>> -> memref<1x50x64xf32, #tpu.memory_space<vmem>>
        %dma_start3A_530 = tpu.memref_squeeze %dma_start3A_529 : memref<1x50x64xf32, #tpu.memory_space<vmem>> -> memref<50x64xf32, #tpu.memory_space<vmem>>
        %dma_start3A_531 = arith.constant 0 : i32
        %dma_start3A_532 = tpu.memref_slice %arg5[%add3A_525, %dma_start3A_531] : memref<128x50xi32, #tpu.memory_space<vmem>> -> memref<1x50xi32, #tpu.memory_space<vmem>>
        %dma_start3A_533 = tpu.memref_squeeze %dma_start3A_532 : memref<1x50xi32, #tpu.memory_space<vmem>> -> memref<50xi32, #tpu.memory_space<vmem>>
        %dma_start3A_534 = arith.constant 0 : i32
        %dma_start3A_535 = arith.constant 0 : i32
        %dma_start3A_536 = tpu.memref_slice %arg3[%dma_start3A_534, %dma_start3A_535] : memref<100000x64xf32, #tpu.memory_space<hbm>> -> memref<100000x64xf32, #tpu.memory_space<hbm>>
        tpu.enqueue_indirect_dma source(%dma_start3A_536 : memref<100000x64xf32, #tpu.memory_space<hbm>>) target(%dma_start3A_530 : memref<50x64xf32, #tpu.memory_space<vmem>>) offsets(%dma_start3A_533 : memref<50xi32, #tpu.memory_space<vmem>>) semaphore(%arg11 : memref<!tpu.dma_semaphore, #tpu.memory_space<semaphore_mem>>)
        %mul3A_537 = arith.constant 8 : i32
        %mul3A_538 = arith.muli %sub3A_407, %mul3A_537 : i32
        %add3A_539 = arith.constant 6 : i32
        %add3A_540 = arith.addi %mul3A_538, %add3A_539 : i32
        %dma_start3A_541 = arith.constant 6 : i32
        %dma_start3A_542 = arith.constant 0 : i32
        %dma_start3A_543 = arith.constant 0 : i32
        %dma_start3A_544 = tpu.memref_slice %arg7[%dma_start3A_541, %dma_start3A_542, %dma_start3A_543] : memref<8x50x64xf32, #tpu.memory_space<vmem>> -> memref<1x50x64xf32, #tpu.memory_space<vmem>>
        %dma_start3A_545 = tpu.memref_squeeze %dma_start3A_544 : memref<1x50x64xf32, #tpu.memory_space<vmem>> -> memref<50x64xf32, #tpu.memory_space<vmem>>
        %dma_start3A_546 = arith.constant 0 : i32
        %dma_start3A_547 = tpu.memref_slice %arg5[%add3A_540, %dma_start3A_546] : memref<128x50xi32, #tpu.memory_space<vmem>> -> memref<1x50xi32, #tpu.memory_space<vmem>>
        %dma_start3A_548 = tpu.memref_squeeze %dma_start3A_547 : memref<1x50xi32, #tpu.memory_space<vmem>> -> memref<50xi32, #tpu.memory_space<vmem>>
        %dma_start3A_549 = arith.constant 0 : i32
        %dma_start3A_550 = arith.constant 0 : i32
        %dma_start3A_551 = tpu.memref_slice %arg3[%dma_start3A_549, %dma_start3A_550] : memref<100000x64xf32, #tpu.memory_space<hbm>> -> memref<100000x64xf32, #tpu.memory_space<hbm>>
        tpu.enqueue_indirect_dma source(%dma_start3A_551 : memref<100000x64xf32, #tpu.memory_space<hbm>>) target(%dma_start3A_545 : memref<50x64xf32, #tpu.memory_space<vmem>>) offsets(%dma_start3A_548 : memref<50xi32, #tpu.memory_space<vmem>>) semaphore(%arg11 : memref<!tpu.dma_semaphore, #tpu.memory_space<semaphore_mem>>)
        %mul3A_552 = arith.constant 8 : i32
        %mul3A_553 = arith.muli %sub3A_407, %mul3A_552 : i32
        %add3A_554 = arith.constant 7 : i32
        %add3A_555 = arith.addi %mul3A_553, %add3A_554 : i32
        %dma_start3A_556 = arith.constant 7 : i32
        %dma_start3A_557 = arith.constant 0 : i32
        %dma_start3A_558 = arith.constant 0 : i32
        %dma_start3A_559 = tpu.memref_slice %arg7[%dma_start3A_556, %dma_start3A_557, %dma_start3A_558] : memref<8x50x64xf32, #tpu.memory_space<vmem>> -> memref<1x50x64xf32, #tpu.memory_space<vmem>>
        %dma_start3A_560 = tpu.memref_squeeze %dma_start3A_559 : memref<1x50x64xf32, #tpu.memory_space<vmem>> -> memref<50x64xf32, #tpu.memory_space<vmem>>
        %dma_start3A_561 = arith.constant 0 : i32
        %dma_start3A_562 = tpu.memref_slice %arg5[%add3A_555, %dma_start3A_561] : memref<128x50xi32, #tpu.memory_space<vmem>> -> memref<1x50xi32, #tpu.memory_space<vmem>>
        %dma_start3A_563 = tpu.memref_squeeze %dma_start3A_562 : memref<1x50xi32, #tpu.memory_space<vmem>> -> memref<50xi32, #tpu.memory_space<vmem>>
        %dma_start3A_564 = arith.constant 0 : i32
        %dma_start3A_565 = arith.constant 0 : i32
        %dma_start3A_566 = tpu.memref_slice %arg3[%dma_start3A_564, %dma_start3A_565] : memref<100000x64xf32, #tpu.memory_space<hbm>> -> memref<100000x64xf32, #tpu.memory_space<hbm>>
        tpu.enqueue_indirect_dma source(%dma_start3A_566 : memref<100000x64xf32, #tpu.memory_space<hbm>>) target(%dma_start3A_560 : memref<50x64xf32, #tpu.memory_space<vmem>>) offsets(%dma_start3A_563 : memref<50xi32, #tpu.memory_space<vmem>>) semaphore(%arg11 : memref<!tpu.dma_semaphore, #tpu.memory_space<semaphore_mem>>)
      } else {
      }
      %mul3A_413 = arith.constant 4 : i32
      %mul3A_414 = arith.muli %mul3A_413, %scan3A_326 : i32
      %add3A_415 = arith.constant 3 : i32
      %add3A_416 = arith.addi %mul3A_414, %add3A_415 : i32
      %dma_wait3A_417 = arith.constant 0 : i32
      %dma_wait3A_418 = arith.constant 0 : i32
      %dma_wait3A_419 = arith.constant 0 : i32
      %dma_wait3A_420 = tpu.memref_slice %arg4[%dma_wait3A_417, %dma_wait3A_418, %dma_wait3A_419] : memref<4096x56x128xf32, #tpu.memory_space<hbm>> -> memref<8x50x64xf32, #tpu.memory_space<hbm>>
      %dma_wait3A_421 = arith.constant 0 : i32
      %dma_wait3A_422 = arith.constant 0 : i32
      %dma_wait3A_423 = arith.constant 0 : i32
      %dma_wait3A_424 = tpu.memref_slice %arg4[%dma_wait3A_421, %dma_wait3A_422, %dma_wait3A_423] : memref<4096x56x128xf32, #tpu.memory_space<hbm>> -> memref<8x50x64xf32, #tpu.memory_space<hbm>>
      tpu.wait_dma2 semaphore(%arg13 : memref<!tpu.dma_semaphore, #tpu.memory_space<semaphore_mem>>) src(%dma_wait3A_424 : memref<8x50x64xf32, #tpu.memory_space<hbm>>) dst(%arg9 : memref<8x50x64xf32, #tpu.memory_space<vmem>>)
      %mul3A_425 = arith.constant 8 : i32
      %mul3A_426 = arith.muli %add3A_416, %mul3A_425 : i32
      %add3A_427 = arith.addi %mul3A_2, %mul3A_426 : i32
      %dma_start3A_428 = arith.constant 0 : i32
      %dma_start3A_429 = arith.constant 0 : i32
      %dma_start3A_430 = tpu.memref_slice %arg4[%add3A_427, %dma_start3A_428, %dma_start3A_429] : memref<4096x56x128xf32, #tpu.memory_space<hbm>> -> memref<8x50x64xf32, #tpu.memory_space<hbm>>
      %dma_start3A_431 = arith.constant 0 : i32
      %dma_start3A_432 = arith.constant 0 : i32
      %dma_start3A_433 = tpu.memref_slice %arg4[%add3A_427, %dma_start3A_431, %dma_start3A_432] : memref<4096x56x128xf32, #tpu.memory_space<hbm>> -> memref<8x50x64xf32, #tpu.memory_space<hbm>>
      tpu.enqueue_dma source(%arg9 : memref<8x50x64xf32, #tpu.memory_space<vmem>>) target(%dma_start3A_433 : memref<8x50x64xf32, #tpu.memory_space<hbm>>) target_semaphore(%arg17 : memref<!tpu.dma_semaphore, #tpu.memory_space<semaphore_mem>>)
      %add3A_434 = arith.constant 4 : i32
      %add3A_435 = arith.addi %add3A_416, %add3A_434 : i32
      %sub3A_436 = arith.constant 1 : i32
      %sub3A_437 = arith.subi %add3A_435, %sub3A_436 : i32
      %lt3A_438 = arith.constant 16 : i32
      %lt3A_439 = arith.cmpi slt, %sub3A_437, %lt3A_438 : i32
      %convert_element_type3A_440 = arith.extui %lt3A_439 : i1 to i32
      %cond3A_441 = arith.constant 0 : i32
      %cond3A_442 = arith.cmpi ne, %convert_element_type3A_440, %cond3A_441 : i32
      scf.if %cond3A_442 {
        %ge3A = arith.constant 4 : i32
        %ge3A_443 = arith.cmpi sge, %sub3A_437, %ge3A : i32
        %convert_element_type3A_444 = arith.extui %ge3A_443 : i1 to i32
        %cond3A_445 = arith.constant 0 : i32
        %cond3A_446 = arith.cmpi ne, %convert_element_type3A_444, %cond3A_445 : i32
        scf.if %cond3A_446 {
          %dma_wait3A_567 = arith.constant 0 : i32
          %dma_wait3A_568 = arith.constant 0 : i32
          %dma_wait3A_569 = arith.constant 0 : i32
          %dma_wait3A_570 = tpu.memref_slice %arg4[%dma_wait3A_567, %dma_wait3A_568, %dma_wait3A_569] : memref<4096x56x128xf32, #tpu.memory_space<hbm>> -> memref<8x50x64xf32, #tpu.memory_space<hbm>>
          %dma_wait3A_571 = arith.constant 0 : i32
          %dma_wait3A_572 = arith.constant 0 : i32
          %dma_wait3A_573 = arith.constant 0 : i32
          %dma_wait3A_574 = tpu.memref_slice %arg4[%dma_wait3A_571, %dma_wait3A_572, %dma_wait3A_573] : memref<4096x56x128xf32, #tpu.memory_space<hbm>> -> memref<8x50x64xf32, #tpu.memory_space<hbm>>
          tpu.wait_dma2 semaphore(%arg16 : memref<!tpu.dma_semaphore, #tpu.memory_space<semaphore_mem>>) src(%dma_wait3A_574 : memref<8x50x64xf32, #tpu.memory_space<hbm>>) dst(%arg8 : memref<8x50x64xf32, #tpu.memory_space<vmem>>)
        } else {
        }
        %mul3A_447 = arith.constant 8 : i32
        %mul3A_448 = arith.muli %sub3A_437, %mul3A_447 : i32
        %add3A_449 = arith.constant 0 : i32
        %add3A_450 = arith.addi %mul3A_448, %add3A_449 : i32
        %dma_start3A_451 = arith.constant 0 : i32
        %dma_start3A_452 = arith.constant 0 : i32
        %dma_start3A_453 = arith.constant 0 : i32
        %dma_start3A_454 = tpu.memref_slice %arg8[%dma_start3A_451, %dma_start3A_452, %dma_start3A_453] : memref<8x50x64xf32, #tpu.memory_space<vmem>> -> memref<1x50x64xf32, #tpu.memory_space<vmem>>
        %dma_start3A_455 = tpu.memref_squeeze %dma_start3A_454 : memref<1x50x64xf32, #tpu.memory_space<vmem>> -> memref<50x64xf32, #tpu.memory_space<vmem>>
        %dma_start3A_456 = arith.constant 0 : i32
        %dma_start3A_457 = tpu.memref_slice %arg5[%add3A_450, %dma_start3A_456] : memref<128x50xi32, #tpu.memory_space<vmem>> -> memref<1x50xi32, #tpu.memory_space<vmem>>
        %dma_start3A_458 = tpu.memref_squeeze %dma_start3A_457 : memref<1x50xi32, #tpu.memory_space<vmem>> -> memref<50xi32, #tpu.memory_space<vmem>>
        %dma_start3A_459 = arith.constant 0 : i32
        %dma_start3A_460 = arith.constant 0 : i32
        %dma_start3A_461 = tpu.memref_slice %arg3[%dma_start3A_459, %dma_start3A_460] : memref<100000x64xf32, #tpu.memory_space<hbm>> -> memref<100000x64xf32, #tpu.memory_space<hbm>>
        tpu.enqueue_indirect_dma source(%dma_start3A_461 : memref<100000x64xf32, #tpu.memory_space<hbm>>) target(%dma_start3A_455 : memref<50x64xf32, #tpu.memory_space<vmem>>) offsets(%dma_start3A_458 : memref<50xi32, #tpu.memory_space<vmem>>) semaphore(%arg12 : memref<!tpu.dma_semaphore, #tpu.memory_space<semaphore_mem>>)
        %mul3A_462 = arith.constant 8 : i32
        %mul3A_463 = arith.muli %sub3A_437, %mul3A_462 : i32
        %add3A_464 = arith.constant 1 : i32
        %add3A_465 = arith.addi %mul3A_463, %add3A_464 : i32
        %dma_start3A_466 = arith.constant 1 : i32
        %dma_start3A_467 = arith.constant 0 : i32
        %dma_start3A_468 = arith.constant 0 : i32
        %dma_start3A_469 = tpu.memref_slice %arg8[%dma_start3A_466, %dma_start3A_467, %dma_start3A_468] : memref<8x50x64xf32, #tpu.memory_space<vmem>> -> memref<1x50x64xf32, #tpu.memory_space<vmem>>
        %dma_start3A_470 = tpu.memref_squeeze %dma_start3A_469 : memref<1x50x64xf32, #tpu.memory_space<vmem>> -> memref<50x64xf32, #tpu.memory_space<vmem>>
        %dma_start3A_471 = arith.constant 0 : i32
        %dma_start3A_472 = tpu.memref_slice %arg5[%add3A_465, %dma_start3A_471] : memref<128x50xi32, #tpu.memory_space<vmem>> -> memref<1x50xi32, #tpu.memory_space<vmem>>
        %dma_start3A_473 = tpu.memref_squeeze %dma_start3A_472 : memref<1x50xi32, #tpu.memory_space<vmem>> -> memref<50xi32, #tpu.memory_space<vmem>>
        %dma_start3A_474 = arith.constant 0 : i32
        %dma_start3A_475 = arith.constant 0 : i32
        %dma_start3A_476 = tpu.memref_slice %arg3[%dma_start3A_474, %dma_start3A_475] : memref<100000x64xf32, #tpu.memory_space<hbm>> -> memref<100000x64xf32, #tpu.memory_space<hbm>>
        tpu.enqueue_indirect_dma source(%dma_start3A_476 : memref<100000x64xf32, #tpu.memory_space<hbm>>) target(%dma_start3A_470 : memref<50x64xf32, #tpu.memory_space<vmem>>) offsets(%dma_start3A_473 : memref<50xi32, #tpu.memory_space<vmem>>) semaphore(%arg12 : memref<!tpu.dma_semaphore, #tpu.memory_space<semaphore_mem>>)
        %mul3A_477 = arith.constant 8 : i32
        %mul3A_478 = arith.muli %sub3A_437, %mul3A_477 : i32
        %add3A_479 = arith.constant 2 : i32
        %add3A_480 = arith.addi %mul3A_478, %add3A_479 : i32
        %dma_start3A_481 = arith.constant 2 : i32
        %dma_start3A_482 = arith.constant 0 : i32
        %dma_start3A_483 = arith.constant 0 : i32
        %dma_start3A_484 = tpu.memref_slice %arg8[%dma_start3A_481, %dma_start3A_482, %dma_start3A_483] : memref<8x50x64xf32, #tpu.memory_space<vmem>> -> memref<1x50x64xf32, #tpu.memory_space<vmem>>
        %dma_start3A_485 = tpu.memref_squeeze %dma_start3A_484 : memref<1x50x64xf32, #tpu.memory_space<vmem>> -> memref<50x64xf32, #tpu.memory_space<vmem>>
        %dma_start3A_486 = arith.constant 0 : i32
        %dma_start3A_487 = tpu.memref_slice %arg5[%add3A_480, %dma_start3A_486] : memref<128x50xi32, #tpu.memory_space<vmem>> -> memref<1x50xi32, #tpu.memory_space<vmem>>
        %dma_start3A_488 = tpu.memref_squeeze %dma_start3A_487 : memref<1x50xi32, #tpu.memory_space<vmem>> -> memref<50xi32, #tpu.memory_space<vmem>>
        %dma_start3A_489 = arith.constant 0 : i32
        %dma_start3A_490 = arith.constant 0 : i32
        %dma_start3A_491 = tpu.memref_slice %arg3[%dma_start3A_489, %dma_start3A_490] : memref<100000x64xf32, #tpu.memory_space<hbm>> -> memref<100000x64xf32, #tpu.memory_space<hbm>>
        tpu.enqueue_indirect_dma source(%dma_start3A_491 : memref<100000x64xf32, #tpu.memory_space<hbm>>) target(%dma_start3A_485 : memref<50x64xf32, #tpu.memory_space<vmem>>) offsets(%dma_start3A_488 : memref<50xi32, #tpu.memory_space<vmem>>) semaphore(%arg12 : memref<!tpu.dma_semaphore, #tpu.memory_space<semaphore_mem>>)
        %mul3A_492 = arith.constant 8 : i32
        %mul3A_493 = arith.muli %sub3A_437, %mul3A_492 : i32
        %add3A_494 = arith.constant 3 : i32
        %add3A_495 = arith.addi %mul3A_493, %add3A_494 : i32
        %dma_start3A_496 = arith.constant 3 : i32
        %dma_start3A_497 = arith.constant 0 : i32
        %dma_start3A_498 = arith.constant 0 : i32
        %dma_start3A_499 = tpu.memref_slice %arg8[%dma_start3A_496, %dma_start3A_497, %dma_start3A_498] : memref<8x50x64xf32, #tpu.memory_space<vmem>> -> memref<1x50x64xf32, #tpu.memory_space<vmem>>
        %dma_start3A_500 = tpu.memref_squeeze %dma_start3A_499 : memref<1x50x64xf32, #tpu.memory_space<vmem>> -> memref<50x64xf32, #tpu.memory_space<vmem>>
        %dma_start3A_501 = arith.constant 0 : i32
        %dma_start3A_502 = tpu.memref_slice %arg5[%add3A_495, %dma_start3A_501] : memref<128x50xi32, #tpu.memory_space<vmem>> -> memref<1x50xi32, #tpu.memory_space<vmem>>
        %dma_start3A_503 = tpu.memref_squeeze %dma_start3A_502 : memref<1x50xi32, #tpu.memory_space<vmem>> -> memref<50xi32, #tpu.memory_space<vmem>>
        %dma_start3A_504 = arith.constant 0 : i32
        %dma_start3A_505 = arith.constant 0 : i32
        %dma_start3A_506 = tpu.memref_slice %arg3[%dma_start3A_504, %dma_start3A_505] : memref<100000x64xf32, #tpu.memory_space<hbm>> -> memref<100000x64xf32, #tpu.memory_space<hbm>>
        tpu.enqueue_indirect_dma source(%dma_start3A_506 : memref<100000x64xf32, #tpu.memory_space<hbm>>) target(%dma_start3A_500 : memref<50x64xf32, #tpu.memory_space<vmem>>) offsets(%dma_start3A_503 : memref<50xi32, #tpu.memory_space<vmem>>) semaphore(%arg12 : memref<!tpu.dma_semaphore, #tpu.memory_space<semaphore_mem>>)
        %mul3A_507 = arith.constant 8 : i32
        %mul3A_508 = arith.muli %sub3A_437, %mul3A_507 : i32
        %add3A_509 = arith.constant 4 : i32
        %add3A_510 = arith.addi %mul3A_508, %add3A_509 : i32
        %dma_start3A_511 = arith.constant 4 : i32
        %dma_start3A_512 = arith.constant 0 : i32
        %dma_start3A_513 = arith.constant 0 : i32
        %dma_start3A_514 = tpu.memref_slice %arg8[%dma_start3A_511, %dma_start3A_512, %dma_start3A_513] : memref<8x50x64xf32, #tpu.memory_space<vmem>> -> memref<1x50x64xf32, #tpu.memory_space<vmem>>
        %dma_start3A_515 = tpu.memref_squeeze %dma_start3A_514 : memref<1x50x64xf32, #tpu.memory_space<vmem>> -> memref<50x64xf32, #tpu.memory_space<vmem>>
        %dma_start3A_516 = arith.constant 0 : i32
        %dma_start3A_517 = tpu.memref_slice %arg5[%add3A_510, %dma_start3A_516] : memref<128x50xi32, #tpu.memory_space<vmem>> -> memref<1x50xi32, #tpu.memory_space<vmem>>
        %dma_start3A_518 = tpu.memref_squeeze %dma_start3A_517 : memref<1x50xi32, #tpu.memory_space<vmem>> -> memref<50xi32, #tpu.memory_space<vmem>>
        %dma_start3A_519 = arith.constant 0 : i32
        %dma_start3A_520 = arith.constant 0 : i32
        %dma_start3A_521 = tpu.memref_slice %arg3[%dma_start3A_519, %dma_start3A_520] : memref<100000x64xf32, #tpu.memory_space<hbm>> -> memref<100000x64xf32, #tpu.memory_space<hbm>>
        tpu.enqueue_indirect_dma source(%dma_start3A_521 : memref<100000x64xf32, #tpu.memory_space<hbm>>) target(%dma_start3A_515 : memref<50x64xf32, #tpu.memory_space<vmem>>) offsets(%dma_start3A_518 : memref<50xi32, #tpu.memory_space<vmem>>) semaphore(%arg12 : memref<!tpu.dma_semaphore, #tpu.memory_space<semaphore_mem>>)
        %mul3A_522 = arith.constant 8 : i32
        %mul3A_523 = arith.muli %sub3A_437, %mul3A_522 : i32
        %add3A_524 = arith.constant 5 : i32
        %add3A_525 = arith.addi %mul3A_523, %add3A_524 : i32
        %dma_start3A_526 = arith.constant 5 : i32
        %dma_start3A_527 = arith.constant 0 : i32
        %dma_start3A_528 = arith.constant 0 : i32
        %dma_start3A_529 = tpu.memref_slice %arg8[%dma_start3A_526, %dma_start3A_527, %dma_start3A_528] : memref<8x50x64xf32, #tpu.memory_space<vmem>> -> memref<1x50x64xf32, #tpu.memory_space<vmem>>
        %dma_start3A_530 = tpu.memref_squeeze %dma_start3A_529 : memref<1x50x64xf32, #tpu.memory_space<vmem>> -> memref<50x64xf32, #tpu.memory_space<vmem>>
        %dma_start3A_531 = arith.constant 0 : i32
        %dma_start3A_532 = tpu.memref_slice %arg5[%add3A_525, %dma_start3A_531] : memref<128x50xi32, #tpu.memory_space<vmem>> -> memref<1x50xi32, #tpu.memory_space<vmem>>
        %dma_start3A_533 = tpu.memref_squeeze %dma_start3A_532 : memref<1x50xi32, #tpu.memory_space<vmem>> -> memref<50xi32, #tpu.memory_space<vmem>>
        %dma_start3A_534 = arith.constant 0 : i32
        %dma_start3A_535 = arith.constant 0 : i32
        %dma_start3A_536 = tpu.memref_slice %arg3[%dma_start3A_534, %dma_start3A_535] : memref<100000x64xf32, #tpu.memory_space<hbm>> -> memref<100000x64xf32, #tpu.memory_space<hbm>>
        tpu.enqueue_indirect_dma source(%dma_start3A_536 : memref<100000x64xf32, #tpu.memory_space<hbm>>) target(%dma_start3A_530 : memref<50x64xf32, #tpu.memory_space<vmem>>) offsets(%dma_start3A_533 : memref<50xi32, #tpu.memory_space<vmem>>) semaphore(%arg12 : memref<!tpu.dma_semaphore, #tpu.memory_space<semaphore_mem>>)
        %mul3A_537 = arith.constant 8 : i32
        %mul3A_538 = arith.muli %sub3A_437, %mul3A_537 : i32
        %add3A_539 = arith.constant 6 : i32
        %add3A_540 = arith.addi %mul3A_538, %add3A_539 : i32
        %dma_start3A_541 = arith.constant 6 : i32
        %dma_start3A_542 = arith.constant 0 : i32
        %dma_start3A_543 = arith.constant 0 : i32
        %dma_start3A_544 = tpu.memref_slice %arg8[%dma_start3A_541, %dma_start3A_542, %dma_start3A_543] : memref<8x50x64xf32, #tpu.memory_space<vmem>> -> memref<1x50x64xf32, #tpu.memory_space<vmem>>
        %dma_start3A_545 = tpu.memref_squeeze %dma_start3A_544 : memref<1x50x64xf32, #tpu.memory_space<vmem>> -> memref<50x64xf32, #tpu.memory_space<vmem>>
        %dma_start3A_546 = arith.constant 0 : i32
        %dma_start3A_547 = tpu.memref_slice %arg5[%add3A_540, %dma_start3A_546] : memref<128x50xi32, #tpu.memory_space<vmem>> -> memref<1x50xi32, #tpu.memory_space<vmem>>
        %dma_start3A_548 = tpu.memref_squeeze %dma_start3A_547 : memref<1x50xi32, #tpu.memory_space<vmem>> -> memref<50xi32, #tpu.memory_space<vmem>>
        %dma_start3A_549 = arith.constant 0 : i32
        %dma_start3A_550 = arith.constant 0 : i32
        %dma_start3A_551 = tpu.memref_slice %arg3[%dma_start3A_549, %dma_start3A_550] : memref<100000x64xf32, #tpu.memory_space<hbm>> -> memref<100000x64xf32, #tpu.memory_space<hbm>>
        tpu.enqueue_indirect_dma source(%dma_start3A_551 : memref<100000x64xf32, #tpu.memory_space<hbm>>) target(%dma_start3A_545 : memref<50x64xf32, #tpu.memory_space<vmem>>) offsets(%dma_start3A_548 : memref<50xi32, #tpu.memory_space<vmem>>) semaphore(%arg12 : memref<!tpu.dma_semaphore, #tpu.memory_space<semaphore_mem>>)
        %mul3A_552 = arith.constant 8 : i32
        %mul3A_553 = arith.muli %sub3A_437, %mul3A_552 : i32
        %add3A_554 = arith.constant 7 : i32
        %add3A_555 = arith.addi %mul3A_553, %add3A_554 : i32
        %dma_start3A_556 = arith.constant 7 : i32
        %dma_start3A_557 = arith.constant 0 : i32
        %dma_start3A_558 = arith.constant 0 : i32
        %dma_start3A_559 = tpu.memref_slice %arg8[%dma_start3A_556, %dma_start3A_557, %dma_start3A_558] : memref<8x50x64xf32, #tpu.memory_space<vmem>> -> memref<1x50x64xf32, #tpu.memory_space<vmem>>
        %dma_start3A_560 = tpu.memref_squeeze %dma_start3A_559 : memref<1x50x64xf32, #tpu.memory_space<vmem>> -> memref<50x64xf32, #tpu.memory_space<vmem>>
        %dma_start3A_561 = arith.constant 0 : i32
        %dma_start3A_562 = tpu.memref_slice %arg5[%add3A_555, %dma_start3A_561] : memref<128x50xi32, #tpu.memory_space<vmem>> -> memref<1x50xi32, #tpu.memory_space<vmem>>
        %dma_start3A_563 = tpu.memref_squeeze %dma_start3A_562 : memref<1x50xi32, #tpu.memory_space<vmem>> -> memref<50xi32, #tpu.memory_space<vmem>>
        %dma_start3A_564 = arith.constant 0 : i32
        %dma_start3A_565 = arith.constant 0 : i32
        %dma_start3A_566 = tpu.memref_slice %arg3[%dma_start3A_564, %dma_start3A_565] : memref<100000x64xf32, #tpu.memory_space<hbm>> -> memref<100000x64xf32, #tpu.memory_space<hbm>>
        tpu.enqueue_indirect_dma source(%dma_start3A_566 : memref<100000x64xf32, #tpu.memory_space<hbm>>) target(%dma_start3A_560 : memref<50x64xf32, #tpu.memory_space<vmem>>) offsets(%dma_start3A_563 : memref<50xi32, #tpu.memory_space<vmem>>) semaphore(%arg12 : memref<!tpu.dma_semaphore, #tpu.memory_space<semaphore_mem>>)
      } else {
      }
    }
    %scan3A_294 = arith.constant 4 : i32
    %dma_wait3A = arith.constant 0 : i32
    %dma_wait3A_295 = arith.constant 0 : i32
    %dma_wait3A_296 = arith.constant 0 : i32
    %dma_wait3A_297 = tpu.memref_slice %arg4[%dma_wait3A, %dma_wait3A_295, %dma_wait3A_296] : memref<4096x56x128xf32, #tpu.memory_space<hbm>> -> memref<8x50x64xf32, #tpu.memory_space<hbm>>
    %dma_wait3A_298 = arith.constant 0 : i32
    %dma_wait3A_299 = arith.constant 0 : i32
    %dma_wait3A_300 = arith.constant 0 : i32
    %dma_wait3A_301 = tpu.memref_slice %arg4[%dma_wait3A_298, %dma_wait3A_299, %dma_wait3A_300] : memref<4096x56x128xf32, #tpu.memory_space<hbm>> -> memref<8x50x64xf32, #tpu.memory_space<hbm>>
    tpu.wait_dma2 semaphore(%arg14 : memref<!tpu.dma_semaphore, #tpu.memory_space<semaphore_mem>>) src(%dma_wait3A_301 : memref<8x50x64xf32, #tpu.memory_space<hbm>>) dst(%arg6 : memref<8x50x64xf32, #tpu.memory_space<vmem>>)
    %dma_wait3A_302 = arith.constant 0 : i32
    %dma_wait3A_303 = arith.constant 0 : i32
    %dma_wait3A_304 = arith.constant 0 : i32
    %dma_wait3A_305 = tpu.memref_slice %arg4[%dma_wait3A_302, %dma_wait3A_303, %dma_wait3A_304] : memref<4096x56x128xf32, #tpu.memory_space<hbm>> -> memref<8x50x64xf32, #tpu.memory_space<hbm>>
    %dma_wait3A_306 = arith.constant 0 : i32
    %dma_wait3A_307 = arith.constant 0 : i32
    %dma_wait3A_308 = arith.constant 0 : i32
    %dma_wait3A_309 = tpu.memref_slice %arg4[%dma_wait3A_306, %dma_wait3A_307, %dma_wait3A_308] : memref<4096x56x128xf32, #tpu.memory_space<hbm>> -> memref<8x50x64xf32, #tpu.memory_space<hbm>>
    tpu.wait_dma2 semaphore(%arg15 : memref<!tpu.dma_semaphore, #tpu.memory_space<semaphore_mem>>) src(%dma_wait3A_309 : memref<8x50x64xf32, #tpu.memory_space<hbm>>) dst(%arg7 : memref<8x50x64xf32, #tpu.memory_space<vmem>>)
    %dma_wait3A_310 = arith.constant 0 : i32
    %dma_wait3A_311 = arith.constant 0 : i32
    %dma_wait3A_312 = arith.constant 0 : i32
    %dma_wait3A_313 = tpu.memref_slice %arg4[%dma_wait3A_310, %dma_wait3A_311, %dma_wait3A_312] : memref<4096x56x128xf32, #tpu.memory_space<hbm>> -> memref<8x50x64xf32, #tpu.memory_space<hbm>>
    %dma_wait3A_314 = arith.constant 0 : i32
    %dma_wait3A_315 = arith.constant 0 : i32
    %dma_wait3A_316 = arith.constant 0 : i32
    %dma_wait3A_317 = tpu.memref_slice %arg4[%dma_wait3A_314, %dma_wait3A_315, %dma_wait3A_316] : memref<4096x56x128xf32, #tpu.memory_space<hbm>> -> memref<8x50x64xf32, #tpu.memory_space<hbm>>
    tpu.wait_dma2 semaphore(%arg16 : memref<!tpu.dma_semaphore, #tpu.memory_space<semaphore_mem>>) src(%dma_wait3A_317 : memref<8x50x64xf32, #tpu.memory_space<hbm>>) dst(%arg8 : memref<8x50x64xf32, #tpu.memory_space<vmem>>)
    %dma_wait3A_318 = arith.constant 0 : i32
    %dma_wait3A_319 = arith.constant 0 : i32
    %dma_wait3A_320 = arith.constant 0 : i32
    %dma_wait3A_321 = tpu.memref_slice %arg4[%dma_wait3A_318, %dma_wait3A_319, %dma_wait3A_320] : memref<4096x56x128xf32, #tpu.memory_space<hbm>> -> memref<8x50x64xf32, #tpu.memory_space<hbm>>
    %dma_wait3A_322 = arith.constant 0 : i32
    %dma_wait3A_323 = arith.constant 0 : i32
    %dma_wait3A_324 = arith.constant 0 : i32
    %dma_wait3A_325 = tpu.memref_slice %arg4[%dma_wait3A_322, %dma_wait3A_323, %dma_wait3A_324] : memref<4096x56x128xf32, #tpu.memory_space<hbm>> -> memref<8x50x64xf32, #tpu.memory_space<hbm>>
    tpu.wait_dma2 semaphore(%arg17 : memref<!tpu.dma_semaphore, #tpu.memory_space<semaphore_mem>>) src(%dma_wait3A_325 : memref<8x50x64xf32, #tpu.memory_space<hbm>>) dst(%arg9 : memref<8x50x64xf32, #tpu.memory_space<vmem>>)
    return
  }
}

</mosaic_0001>

<sc_bundles>
// kernel: kernel.3.cloned.1.call-start
scs
__scs_entry_jumppad:
0x0: {  	(pc) =	sbr.rel $0x88, $3  }
0x1: {  	(tag) =	ssettag $0x0;
	lr =	simm.s32 $0x1  }
0x2: {  	[smem:$0x3F9F] =	sst lr;
	_ =	strace $0xD0000000  }
0x3: {  	_ = 	snop  }
0x4: {  	_ = 	snop  }
0x5: {  	_ = 	snop  }
0x6: {  	_ = 	snop  }
0x7: {  	_ = 	snop  }
__scs_overlays_trampoline_lowered:
0x8: {  	[smem:$0x3FAE] =	sst s0  }
0x9: {  	[smem:$0x3FAF] =	sst s1  }
0xa: {  	[smem:$0x3FB0] =	sst s2  }
0xb: {  	[smem:$0x3FB1] =	sst s3  }
0xc: {  	[smem:$0x3FB2] =	sst s4  }
0xd: {  	[smem:$0x3FB3] =	sst s5  }
0xe: {  	[smem:$0x3FB4] =	sst s6  }
0xf: {  	[smem:$0x3FB5] =	sst s7  }
0x10: {  	[smem:$0x3FB6] =	sst s8  }
0x11: {  	[smem:$0x3FB7] =	sst s9;
	s0 =	simm.s32 @!p0 $0x0  }
0x12: {  	s1 =	sld [smem:$0x3F9D];
	s0 =	simm.s32 @p0 $0x1  }
0x13: {  	[smem:$0x3FB8] =	sst s0;
	s0 =	simm.s32 @!p1 $0x0  }
0x14: {  	s2 =	sld [smem:$0x3F9C];
	s0 =	simm.s32 @p1 $0x1  }
0x15: {  	[smem:$0x3FB9] =	sst s0;
	s0 =	simm.s32 @!p2 $0x0  }
0x16: {  	s3 =	sld [smem:$0x3FDB];
	s0 =	simm.s32 @p2 $0x1  }
0x17: {  	s4 =	simm.s32 $0x1BF5;
	[smem:$0x3FBB] =	sst s0  }
0x18: {  	s0 =	sld [smem:$0x3F9E];
	_ =	swait.ge [sflag:s4], $0x0  }
0x19: {  	s7 =	sld [smem:$0x3F9F]  }
0x1a: {  	s8 =	sadd.s32 $0xFFFFE003, lr  }
0x1b: {  	s9 =	sadd.s32 $0xFFFFFEF7, lr;
	s5 =	simm.s32 $0xFFFFFFFF;
	p2 =	slt.u32 s8, $0xFFFFF086  }
0x1c: {  	p1 =	slt.u32 s9, $0xF7A;
	s5 =	simm.s32 @!p2 $0x0  }
0x1d: {  	s5 =	simm.s32 @p1 $0x1;
	p0 =	seq.s32 s7, s2  }
0x1e: {  	s7 =	smul.u32 @!p0 $0xF7A, s2;
	p2 =	seq.s32 @!p0 s5, $0x0  }
0x1f: {  	s9 =	smul.u32 $0xF7A, s1;
	s8 =	simm.s32 @!p0 $0x1BF5;
	p2 =	por !p2, p0  }
0x20: {  	[sflag:s8] =	ssyncset.s32 @!p0 $0xFFFFF086;
	s6 =	sadd.s32 @!p0 s3, s7;
	s7 =	simm.s32 @!p0 $0x108  }
0x21: {  	s3 =	sadd.s32 s3, s9;
	s6 =	sadd.s32 @!p0 $0x88, s6;
	s7 =	simm.s32 @p2 $0x1082  }
0x22: {  	[simem:s7], [sflag:s8] =	dma.local @!p0 [hbm:s6], $0xF7A  }
0x23: {  	s9 =	sor.u32 $0xD0000000, s2;
	s6 =	simm.s32 $0x108;
	_ =	swait.ge @!p0 [sflag:s8], $0x0  }
0x24: {  	s3 =	sadd.s32 $0x88, s3;
	s6 =	simm.s32 @!p1 $0x1082;
	[sflag:s4] =	ssyncset.s32 $0xFFFFF086  }
0x25: {  	[simem:s6], [sflag:s4] =	dma.local [hbm:s3], $0xF7A  }
0x26: {  	[smem:$0x3F9F] =	sst s1;
	(tag) =	ssettag s2;
	_ =	strace s9  }
0x27: {  	s1 =	sld [smem:$0x3FAF]  }
0x28: {  	s2 =	sld [smem:$0x3FB0]  }
0x29: {  	s4 =	sld [smem:$0x3FB2]  }
0x2a: {  	p0 =	seq.s32 s5, $0x0;
	s5 =	sld [smem:$0x3FB3]  }
0x2b: {  	s6 =	sld [smem:$0x3FB4]  }
0x2c: {  	s7 =	sld [smem:$0x3FB5]  }
0x2d: {  	s3 =	simm.s32 $0x108;
	s8 =	sld [smem:$0x3FB6]  }
0x2e: {  	s3 =	simm.s32 @!p0 $0x1082;
	s9 =	sld [smem:$0x3FB7]  }
0x2f: {  	lr =	sadd.s32 s0, s3;
	s0 =	sld [smem:$0x3FAE]  }
0x30: {  	s3 =	sld [smem:$0x3FB1]  }
0x31: {  	[smem:$0x3FBA] =	sst s10  }
0x32: {  	s10 =	sld [smem:$0x3FB8];
	_ =	sdelay $0x3  }
0x33: {  	p0 =	seq.s32 s10, $0x1;
	s10 =	sld [smem:$0x3FBA];
	_ =	sdelay $0x3  }
0x34: {  	[smem:$0x3FBA] =	sst s10  }
0x35: {  	s10 =	sld [smem:$0x3FB9];
	_ =	sdelay $0x3  }
0x36: {  	p1 =	seq.s32 s10, $0x1;
	s10 =	sld [smem:$0x3FBA];
	_ =	sdelay $0x3  }
0x37: {  	[smem:$0x3FBA] =	sst s10  }
0x38: {  	s10 =	sld [smem:$0x3FBB]  }
0x39: {  	_ = 	snop;
	(pc) =	sbr.ind lr, $3  }
0x3a: {  	_ = 	snop  }
0x3b: {  	_ = 	snop  }
0x3c: {  	p2 =	seq.s32 s10, $0x1;
	s10 =	sld [smem:$0x3FBA]  }
0x3d: {  	_ =	shalt  }
0x3e: {  	_ =	shalt  }
0x3f: {  	_ =	shalt  }
0x40: {  	_ =	shalt  }
0x41: {  	_ =	shalt  }
0x42: {  	_ =	shalt  }
0x43: {  	_ =	shalt  }
0x44: {  	_ =	shalt  }
0x45: {  	_ =	shalt  }
0x46: {  	_ =	shalt  }
0x47: {  	_ =	shalt  }
0x48: {  	_ =	shalt  }
0x49: {  	_ =	shalt  }
0x4a: {  	_ =	shalt  }
0x4b: {  	_ =	shalt  }
0x4c: {  	_ =	shalt  }
0x4d: {  	_ =	shalt  }
0x4e: {  	_ =	shalt  }
0x4f: {  	_ =	shalt  }
0x50: {  	_ =	shalt  }
0x51: {  	_ =	shalt  }
0x52: {  	_ =	shalt  }
0x53: {  	_ =	shalt  }
0x54: {  	_ =	shalt  }
0x55: {  	_ =	shalt  }
0x56: {  	_ =	shalt  }
0x57: {  	_ =	shalt  }
0x58: {  	_ =	shalt  }
0x59: {  	_ =	shalt  }
0x5a: {  	_ =	shalt  }
0x5b: {  	_ =	shalt  }
0x5c: {  	_ =	shalt  }
0x5d: {  	_ =	shalt  }
0x5e: {  	_ =	shalt  }
0x5f: {  	_ =	shalt  }
0x60: {  	_ =	shalt  }
0x61: {  	_ =	shalt  }
0x62: {  	_ =	shalt  }
0x63: {  	_ =	shalt  }
0x64: {  	_ =	shalt  }
0x65: {  	_ =	shalt  }
0x66: {  	_ =	shalt  }
0x67: {  	_ =	shalt  }
0x68: {  	_ =	shalt  }
0x69: {  	_ =	shalt  }
0x6a: {  	_ =	shalt  }
0x6b: {  	_ =	shalt  }
0x6c: {  	_ =	shalt  }
0x6d: {  	_ =	shalt  }
0x6e: {  	_ =	shalt  }
0x6f: {  	_ =	shalt  }
0x70: {  	_ =	shalt  }
0x71: {  	_ =	shalt  }
0x72: {  	_ =	shalt  }
0x73: {  	_ =	shalt  }
0x74: {  	_ =	shalt  }
0x75: {  	_ =	shalt  }
0x76: {  	_ =	shalt  }
0x77: {  	_ =	shalt  }
0x78: {  	_ =	shalt  }
0x79: {  	_ =	shalt  }
0x7a: {  	_ =	shalt  }
0x7b: {  	_ =	shalt  }
0x7c: {  	_ =	shalt  }
0x7d: {  	_ =	shalt  }
0x7e: {  	_ =	shalt  }
0x7f: {  	_ =	shalt  }
0x80: {  	_ =	shalt  }
0x81: {  	_ =	shalt  }
0x82: {  	_ =	shalt  }
0x83: {  	_ =	shalt  }
0x84: {  	_ =	shalt  }
0x85: {  	_ =	shalt  }
0x86: {  	_ =	shalt  }
0x87: {  	_ =	shalt  }
.Lfunc_end0:
.L_simem_size_0:
called_computation.1_lowered:
.L_overlay_start_0:
0x88: {  	s2 =	sld [smem:$0x3FD9]  }
0x89: {  	s3 =	sld [smem:$0x3FFE];
	_ =	sdelay $0x1  }
0x8a: {  	s1 =	srdreg.scid  }
0x8b: {  	s0 =	sand.u32 $0x1, s1  }
0x8c: {  	s16 =	sshll.u32 s0, $0xA;
	s2 =	sadd.s32 s3, s2  }
0x8d: {  	s2 =	sadd.s32 s2, s16  }
0x8e: {  	[smem:$0x3FC6] =	sst s2  }
0x8f: {  	_ = 	snop  }
0x90: {  	(tm) =	ssettm $0x1  }
0x91: {  	s17 =	sld [smem:$0x3FFB];
	_ =	sdelay $0x3  }
0x92: {  	_ =	strace s17  }
0x93: {  	s2 =	sld [smem:$0x3FFC];
	_ =	sdelay $0x3  }
0x94: {  	_ =	strace s2  }
0x95: {  	s2 =	sld [smem:$0x3FFD];
	_ =	sdelay $0x3  }
0x96: {  	_ =	strace s2  }
0x97: {  	_ =	strace $0x8FFFFFFF  }
0x98: {  	s18 =	sld [smem:$0x3FDB];
	_ =	sdelay $0x1  }
0x99: {  	s19 =	simm.s32 $_scs_section_size  }
0x9a: {  	s4 =	simm.s32 $_size__tile_overlayer_lowered;
	s5 =	simm.s32 $_tile_overlayer_lowered  }
0x9b: {  	s22 =	simm.s32 $0x1BFF;
	s21 =	sshll.u32 s5, $0x1;
	s2 =	sadd.s32 s19, s18  }
0x9c: {  	s6 =	simm.s32 $0x0;
	s20 =	sshll.u32 s4, $0x1;
	s4 =	sadd.s32 s21, s2  }
0x9d: {  	[timem:s6], [sflag:s22] =	dma.local [hbm:s4], s20  }
0x9e: {  	_ =	swait.ge [sflag:s22], s20  }
0x9f: {  	s3 =	ssub.s32 $0x0, s20;
	[sflag:s22] =	ssyncset.done $0x0  }
0xa0: {  	[sflag:s22] =	ssyncadd.s32 s3;
	_ =	sdelay $0x1  }
0xa1: {  	s23 =	simm.s32 $0x1B8B  }
0xa2: {  	_ =	swait.ge [sflag:s23], $0x1  }
0xa3: {  	[sflag:s23] =	ssyncset.done $0x0  }
0xa4: {  	s25 =	simm.s32 $0x1B8E;
	s24 =	sld [smem:$0x3FFE];
	[sflag:s23] =	ssyncadd.s32 $0xFFFFFFFF  }
0xa5: {  	s26 =	simm.s32 $execute0_lowered;
	[smem:$0x3FD2] =	sst s25  }
0xa6: {  	s4 =	sshll.u32 s26, $0x1;
	_ =	strace $0x80000046;
	[dreg:$0x1] =	wrdreg $0xFFFFFFFF  }
0xa7: {  	s28 =	simm.s32 $_size_execute0_lowered;
	s2 =	sadd.s32 s2, s4;
	[dreg:$0x0] =	wrdreg $0x0  }
0xa8: {  	s4 =	sshll.u32 s28, $0x1;
	[dreg:$0x2] =	wrdreg s2  }
0xa9: {  	[dreg:$0x3] =	wrdreg s4  }
0xaa: {  	[dreg:$0x4] =	wrdreg $0xC0  }
0xab: {  	_ =	task [dreg:s6], $0x5FFFF  }
0xac: {  	[dreg:$0x1] =	wrdreg $0xFFFFFFFF  }
0xad: {  	[dreg:$0x0] =	wrdreg $0x60  }
0xae: {  	[dreg:$0x2] =	wrdreg s24  }
0xaf: {  	[dreg:$0x3] =	wrdreg $0x9  }
0xb0: {  	_ =	task.clear_ibuf [dreg:s6], $0x4FFFF;
	_ =	strace $0x90000046  }
0xb1: {  	s29 =	simm.s32 $0x9;
	_ =	strace $0x80000048  }
0xb2: {  	_ =	swait.ge [sflag:s29], $0x1  }
0xb3: {  	[sflag:s29] =	ssyncadd.s32 $0xFFFFFFFF  }
0xb4: {  	_ =	strace $0x90000048  }
0xb5: {  	_ =	sfence  }
0xb6: {  	s30 =	sld [smem:$0x0];
	_ =	sdelay $0x2  }
0xb7: {  	s31 =	sshll.u32 s1, $0xD;
	s1 =	sshrl.u32 s1, $0x2  }
0xb8: {  	s3 =	sand.u32 $0x4000, s31;
	s1 =	sadd.s32 s1, s30  }
0xb9: {  	s0 =	sor.u32 s3, s0;
	s1 =	sshll.u32 s1, $0x11  }
0xba: {  	s0 =	sor.u32 s1, s0  }
0xbb: {  	s0 =	sadd.s32 $0x8F2B, s0  }
0xbc: {  	[sflag:s0] =	ssyncadd.remote.s32 $0x1  }
0xbd: {  	_ =	sfence.sel $0xFFFF  }
0xbe: {  	[dreg:$0x0] =	wrdreg $0xFFFFFFFF;
	(pc) =	sbr.abs _section_cstart, $3  }
0xbf: {  	[dreg:$0x1] =	wrdreg $0xFFFFFFFF  }
0xc0: {  	_ =	task.clear_ibuf [dreg:s6], $0x2FFFF;
	_ =	strace $0x9FFFFFFF  }
0xc1: {  	(tm) =	ssettm $0x7FFFFFFF  }
tec
execute0_lowered:
.L_overlay_start_1:
0x0: {  	(tag) =	ssettag $0x1  }
0x1: {  	s0 =	srdreg.scid;
	s4 =	stileid.u32  }
0x2: {  	s1 =	rddreg [dreg:$0x0];
	s5 =	simm.s32 $0x0;
	s8 =	simm.s32 $0x32  }
0x3: {  	s14 =	simm.s32 $0xE400;
	s12 =	simm.s32 $0xF080;
	s18 =	simm.s32 $0xFD00  }
0x4: {  	s20 =	simm.s32 $0x10980;
	s16 =	simm.s32 $0x11600;
	s22 =	simm.s32 $0x12F00  }
0x5: {  	s21 =	simm.s32 $0x2;
	s23 =	simm.s32 $0x3;
	s28 =	simm.s32 $0x7  }
0x6: {  	s7 =	simm.s32 $0x0;
	s29 =	simm.s32 $0x10980;
	s24 =	simm.s32 $0x12F00  }
0x7: {  	s9 =	simm.s32 $0x15480;
	s11 =	simm.s32 $0x16100;
	s13 =	simm.s32 $0x16D80  }
0x8: {  	s15 =	simm.s32 $0x17A00;
	s17 =	simm.s32 $0x18680;
	s19 =	simm.s32 $0x19300  }
0x9: {  	s31 =	simm.s32 $0x19F80;
	s0 =	sand.u32 $0x1, s0;
	s2 =	sshll.u32 s4, $0x8  }
0xa: {  	[smem:$0x7FF] =	sst s5;
	s4 =	smul.u32 $0x38000, s4;
	s5 =	simm.s32 $0x80  }
0xb: {  	s3 =	sshll.u32 s0, $0x7;
	_ =	strace $0x80000047;
	s25 =	ssub.s32 $0x2, s0  }
0xc: {  	s0 =	smul.u32 $0x1C000, s0;
	s2 =	sor.u32 s3, s2;
	s6 =	sshrl.u32 s25, $0x1  }
0xd: {  	s3 =	sadd.s32 $0x7800, s1;
	s2 =	smul.u32 $0x7, s2;
	s26 =	ssub.s32 s25, s6  }
.Ltmp0:
0xe: {  	s6 =	simm.s32 $0x13B80;
	s25 =	simm.s32 $0x4;
	(pc) =	sbr.rel .LBB2_1-.Ltmp0, $4  }
0xf: {  	s30 =	smax.u32 s26, $0x1;
	s2 =	sadd.s32 s2, s1;
	s1 =	sadd.s32 s4, s1  }
0x10: {  	[dreg:$0x3] =	wrdreg s30;
	s2 =	sadd.s32 $0x800, s2;
	s0 =	sadd.s32 s0, s1  }
0x11: {  	s4 =	simm.s32 $0x40;
	[dreg:$0x2] =	wrdreg s2;
	s0 =	sadd.s32 $0xCAE00, s0  }
0x12: {  	s2 =	simm.s32 $0x1;
	[dreg:$0x4] =	wrdreg s0;
	s0 =	simm.s32 $0x12280  }
.LBB2_4:
0x13: {  	s0 =	simm.s32 $0x5  }
0x14: {  	_ =	swait.ge [sflag:s0], $0x6400  }
0x15: {  	[sflag:s0] =	ssyncset.done $0x0  }
0x16: {  	s26 =	simm.s32 $0x6;
	[sflag:s0] =	ssyncadd.s32 $0xFFFF9C00  }
0x17: {  	_ =	swait.ge [sflag:s26], $0x6400  }
0x18: {  	[sflag:s26] =	ssyncset.done $0x0  }
0x19: {  	[sflag:s26] =	ssyncadd.s32 $0xFFFF9C00  }
0x1a: {  	_ =	swait.ge [sflag:s28], $0x6400  }
0x1b: {  	[sflag:s28] =	ssyncset.done $0x0  }
0x1c: {  	s30 =	simm.s32 $0x8;
	[sflag:s28] =	ssyncadd.s32 $0xFFFF9C00  }
0x1d: {  	_ =	swait.ge [sflag:s30], $0x6400  }
0x1e: {  	s7 =	rddreg [dreg:$0x5]  }
0x1f: {  	s1 =	rddreg [dreg:$0x3];
	s7 =	sadd.s32 $0x1, s7  }
0x20: {  	p0 =	sne.s32 s7, s1  }
.Ltmp1:
0x21: {  	_ = 	snop;
	(pc) =	sbr.rel @!p0 .LBB2_5-.Ltmp1, $4  }
0x22: {  	s14 =	simm.s32 $0xE400  }
0x23: {  	s12 =	simm.s32 $0xF080;
	s18 =	simm.s32 $0xFD00;
	s20 =	simm.s32 $0x10980  }
0x24: {  	s16 =	simm.s32 $0x11600;
	s22 =	simm.s32 $0x12F00;
	[sflag:s30] =	ssyncset.done $0x0  }
0x25: {  	s6 =	simm.s32 $0x13B80;
	s0 =	simm.s32 $0x12280;
	[sflag:s30] =	ssyncadd.s32 $0xFFFF9C00  }
.LBB2_1:
0x26: {  	[dreg:$0x5] =	wrdreg s7  }
0x27: {  	s1 =	simm.s32 $0x0;
	s10 =	rddreg [dreg:$0x2];
	s26 =	simm.s32 $0x9  }
0x28: {  	[tilespmem:s1], [sflag:$0x9] =	stream.linear.gather [hbm4b:s10+s1], $0x1C00, $0x38;
	[tilespmem:$0x1AC00] =	vst v63  }
0x29: {  	_ =	swait.ge [sflag:s26], $0x1C00  }
0x2a: {  	[sflag:s26] =	ssyncset.done $0x0  }
0x2b: {  	s7 =	simm.s32 $0x1C00;
	[sflag:s26] =	ssyncadd.s32 $0xFFFFE400  }
0x2c: {  	[tilespmem:s7], [sflag:$0x1] =	stream.indirect.gather [hbm4b:s3+s8], $0x40, s1, s8, $0xb8;
	[tilespmem:$0x1AC00] =	vst v63  }
0x2d: {  	s26 =	simm.s32 $0x38;
	s7 =	simm.s32 $0x2880  }
0x2e: {  	[tilespmem:s7], [sflag:$0x1] =	stream.indirect.gather [hbm4b:s3+s8], $0x40, s26, s8, $0xb8;
	[tilespmem:$0x1AC00] =	vst v63  }
0x2f: {  	s26 =	simm.s32 $0x70;
	s7 =	simm.s32 $0x3500  }
0x30: {  	[tilespmem:s7], [sflag:$0x1] =	stream.indirect.gather [hbm4b:s3+s8], $0x40, s26, s8, $0xb8;
	[tilespmem:$0x1AC00] =	vst v63  }
0x31: {  	s26 =	simm.s32 $0xA8;
	s7 =	simm.s32 $0x4180  }
0x32: {  	[tilespmem:s7], [sflag:$0x1] =	stream.indirect.gather [hbm4b:s3+s8], $0x40, s26, s8, $0xb8;
	[tilespmem:$0x1AC00] =	vst v63  }
0x33: {  	s26 =	simm.s32 $0xE0;
	s7 =	simm.s32 $0x4E00  }
0x34: {  	[tilespmem:s7], [sflag:$0x1] =	stream.indirect.gather [hbm4b:s3+s8], $0x40, s26, s8, $0xb8;
	[tilespmem:$0x1AC00] =	vst v63  }
0x35: {  	s26 =	simm.s32 $0x118;
	s7 =	simm.s32 $0x5A80  }
0x36: {  	[tilespmem:s7], [sflag:$0x1] =	stream.indirect.gather [hbm4b:s3+s8], $0x40, s26, s8, $0xb8;
	[tilespmem:$0x1AC00] =	vst v63  }
0x37: {  	s26 =	simm.s32 $0x150;
	s7 =	simm.s32 $0x6700  }
0x38: {  	[tilespmem:s7], [sflag:$0x1] =	stream.indirect.gather [hbm4b:s3+s8], $0x40, s26, s8, $0xb8;
	[tilespmem:$0x1AC00] =	vst v63  }
0x39: {  	s26 =	simm.s32 $0x188;
	s7 =	simm.s32 $0x7380  }
0x3a: {  	[tilespmem:s7], [sflag:$0x1] =	stream.indirect.gather [hbm4b:s3+s8], $0x40, s26, s8, $0xb8;
	[tilespmem:$0x1AC00] =	vst v63  }
0x3b: {  	s26 =	simm.s32 $0x1C0;
	s7 =	simm.s32 $0x8000  }
0x3c: {  	[tilespmem:s7], [sflag:$0x2] =	stream.indirect.gather [hbm4b:s3+s8], $0x40, s26, s8, $0xb8;
	[tilespmem:$0x1AC00] =	vst v63  }
0x3d: {  	s26 =	simm.s32 $0x1F8;
	s7 =	simm.s32 $0x8C80  }
0x3e: {  	[tilespmem:s7], [sflag:$0x2] =	stream.indirect.gather [hbm4b:s3+s8], $0x40, s26, s8, $0xb8;
	[tilespmem:$0x1AC00] =	vst v63  }
0x3f: {  	s26 =	simm.s32 $0x230;
	s7 =	simm.s32 $0x9900  }
0x40: {  	[tilespmem:s7], [sflag:$0x2] =	stream.indirect.gather [hbm4b:s3+s8], $0x40, s26, s8, $0xb8;
	[tilespmem:$0x1AC00] =	vst v63  }
0x41: {  	s26 =	simm.s32 $0x268;
	s7 =	simm.s32 $0xA580  }
0x42: {  	[tilespmem:s7], [sflag:$0x2] =	stream.indirect.gather [hbm4b:s3+s8], $0x40, s26, s8, $0xb8;
	[tilespmem:$0x1AC00] =	vst v63  }
0x43: {  	s26 =	simm.s32 $0x2A0;
	s7 =	simm.s32 $0xB200  }
0x44: {  	[tilespmem:s7], [sflag:$0x2] =	stream.indirect.gather [hbm4b:s3+s8], $0x40, s26, s8, $0xb8;
	[tilespmem:$0x1AC00] =	vst v63  }
0x45: {  	s26 =	simm.s32 $0x2D8;
	s7 =	simm.s32 $0xBE80  }
0x46: {  	[tilespmem:s7], [sflag:$0x2] =	stream.indirect.gather [hbm4b:s3+s8], $0x40, s26, s8, $0xb8;
	[tilespmem:$0x1AC00] =	vst v63  }
0x47: {  	s26 =	simm.s32 $0x310;
	s7 =	simm.s32 $0xCB00  }
0x48: {  	[tilespmem:s7], [sflag:$0x2] =	stream.indirect.gather [hbm4b:s3+s8], $0x40, s26, s8, $0xb8;
	[tilespmem:$0x1AC00] =	vst v63  }
0x49: {  	s26 =	simm.s32 $0x348;
	s7 =	simm.s32 $0xD780  }
0x4a: {  	[tilespmem:s7], [sflag:$0x2] =	stream.indirect.gather [hbm4b:s3+s8], $0x40, s26, s8, $0xb8;
	[tilespmem:$0x1AC00] =	vst v63  }
0x4b: {  	s26 =	simm.s32 $0x380  }
0x4c: {  	[tilespmem:s14], [sflag:$0x3] =	stream.indirect.gather [hbm4b:s3+s8], $0x40, s26, s8, $0xb8;
	[tilespmem:$0x1AC00] =	vst v63  }
0x4d: {  	s7 =	simm.s32 $0x3B8  }
0x4e: {  	[tilespmem:s12], [sflag:$0x3] =	stream.indirect.gather [hbm4b:s3+s8], $0x40, s7, s8, $0xb8;
	[tilespmem:$0x1AC00] =	vst v63  }
0x4f: {  	s10 =	simm.s32 $0x3F0  }
0x50: {  	[tilespmem:s18], [sflag:$0x3] =	stream.indirect.gather [hbm4b:s3+s8], $0x40, s10, s8, $0xb8;
	[tilespmem:$0x1AC00] =	vst v63  }
0x51: {  	s12 =	simm.s32 $0x428  }
0x52: {  	[tilespmem:s20], [sflag:$0x3] =	stream.indirect.gather [hbm4b:s3+s8], $0x40, s12, s8, $0xb8;
	[tilespmem:$0x1AC00] =	vst v63  }
0x53: {  	s14 =	simm.s32 $0x460  }
0x54: {  	[tilespmem:s16], [sflag:$0x3] =	stream.indirect.gather [hbm4b:s3+s8], $0x40, s14, s8, $0xb8;
	[tilespmem:$0x1AC00] =	vst v63  }
0x55: {  	s18 =	simm.s32 $0x498  }
0x56: {  	[tilespmem:s0], [sflag:$0x3] =	stream.indirect.gather [hbm4b:s3+s8], $0x40, s18, s8, $0xb8;
	[tilespmem:$0x1AC00] =	vst v63  }
0x57: {  	s30 =	rddreg [dreg:$0x4];
	s1 =	simm.s32 $0x0;
	s20 =	simm.s32 $0x4D0  }
0x58: {  	[tilespmem:s22], [sflag:$0x3] =	stream.indirect.gather [hbm4b:s3+s8], $0x40, s20, s8, $0xb8;
	[tilespmem:$0x1AC00] =	vst v63  }
0x59: {  	s26 =	simm.s32 $0x508;
	s12 =	simm.s32 $0xF080;
	s16 =	simm.s32 $0x11600  }
0x5a: {  	[tilespmem:s6], [sflag:$0x3] =	stream.indirect.gather [hbm4b:s3+s8], $0x40, s26, s8, $0xb8;
	[tilespmem:$0x1AC00] =	vst v63  }
0x5b: {  	s0 =	simm.s32 $0x12280;
	s20 =	simm.s32 $0xFD00;
	s6 =	simm.s32 $0x13B80  }
.LBB2_2:
0x5c: {  	_ =	swait.ge [sflag:s2], $0x6400  }
0x5d: {  	[sflag:s2] =	ssyncset.done $0x0  }
0x5e: {  	s10 =	simm.s32 $0x1C00;
	[sflag:s2] =	ssyncadd.s32 $0xFFFF9C00  }
0x5f: {  	[hbm4b:s30+s4] =	stream.strided.scatter [tilespmem:s10], [sflag:$0x5], $0xC80, s5, s4, $0x38;
	[tilespmem:$0x1AC00] =	vst v63  }
0x60: {  	s7 =	sadd.s32 $0x380, s30;
	s14 =	simm.s32 $0x2880  }
0x61: {  	[hbm4b:s7+s4] =	stream.strided.scatter [tilespmem:s14], [sflag:$0x5], $0xC80, s5, s4, $0x38;
	[tilespmem:$0x1AC00] =	vst v63  }
0x62: {  	s18 =	sadd.s32 $0x700, s30;
	s22 =	simm.s32 $0x3500  }
0x63: {  	[hbm4b:s18+s4] =	stream.strided.scatter [tilespmem:s22], [sflag:$0x5], $0xC80, s5, s4, $0x38;
	[tilespmem:$0x1AC00] =	vst v63  }
0x64: {  	s26 =	sadd.s32 $0xA80, s30;
	s7 =	simm.s32 $0x4180  }
0x65: {  	[hbm4b:s26+s4] =	stream.strided.scatter [tilespmem:s7], [sflag:$0x5], $0xC80, s5, s4, $0x38;
	[tilespmem:$0x1AC00] =	vst v63  }
0x66: {  	s18 =	sadd.s32 $0xE00, s30;
	s22 =	simm.s32 $0x4E00  }
0x67: {  	[hbm4b:s18+s4] =	stream.strided.scatter [tilespmem:s22], [sflag:$0x5], $0xC80, s5, s4, $0x38;
	[tilespmem:$0x1AC00] =	vst v63  }
0x68: {  	s26 =	sadd.s32 $0x1180, s30;
	s7 =	simm.s32 $0x5A80  }
0x69: {  	[hbm4b:s26+s4] =	stream.strided.scatter [tilespmem:s7], [sflag:$0x5], $0xC80, s5, s4, $0x38;
	[tilespmem:$0x1AC00] =	vst v63  }
0x6a: {  	p0 =	seq.s32 s1, $0x0;
	s18 =	sadd.s32 $0x1500, s30;
	s22 =	simm.s32 $0x6700  }
0x6b: {  	[hbm4b:s18+s4] =	stream.strided.scatter [tilespmem:s22], [sflag:$0x5], $0xC80, s5, s4, $0x38;
	[tilespmem:$0x1AC00] =	vst v63  }
0x6c: {  	s14 =	simm.s32 @!p0 $0x8;
	s26 =	sadd.s32 $0x1880, s30;
	s7 =	simm.s32 $0x7380  }
0x6d: {  	[hbm4b:s26+s4] =	stream.strided.scatter [tilespmem:s7], [sflag:$0x5], $0xC80, s5, s4, $0x38;
	[tilespmem:$0x1AC00] =	vst v63  }
0x6e: {  	_ =	swait.ge @!p0 [sflag:s14], $0x6400  }
0x6f: {  	s10 =	sshra.s32 s1, $0x2;
	[sflag:s14] =	ssyncset.done @!p0 $0x0  }
0x70: {  	s18 =	sadd.s32 $0x540, s10;
	s7 =	simm.s32 $0x14800;
	[sflag:s14] =	ssyncadd.s32 @!p0 $0xFFFF9C00  }
0x71: {  	[tilespmem:s7], [sflag:$0x4] =	stream.indirect.gather [hbm4b:s3+s8], $0x40, s18, s8, $0xb8;
	[tilespmem:$0x1AC00] =	vst v63  }
0x72: {  	s22 =	sadd.s32 $0x578, s10  }
0x73: {  	[tilespmem:s9], [sflag:$0x4] =	stream.indirect.gather [hbm4b:s3+s8], $0x40, s22, s8, $0xb8;
	[tilespmem:$0x1AC00] =	vst v63  }
0x74: {  	s26 =	sadd.s32 $0x5B0, s10  }
0x75: {  	[tilespmem:s11], [sflag:$0x4] =	stream.indirect.gather [hbm4b:s3+s8], $0x40, s26, s8, $0xb8;
	[tilespmem:$0x1AC00] =	vst v63  }
0x76: {  	s18 =	sadd.s32 $0x5E8, s10  }
0x77: {  	[tilespmem:s13], [sflag:$0x4] =	stream.indirect.gather [hbm4b:s3+s8], $0x40, s18, s8, $0xb8;
	[tilespmem:$0x1AC00] =	vst v63  }
0x78: {  	s22 =	sadd.s32 $0x620, s10  }
0x79: {  	[tilespmem:s15], [sflag:$0x4] =	stream.indirect.gather [hbm4b:s3+s8], $0x40, s22, s8, $0xb8;
	[tilespmem:$0x1AC00] =	vst v63  }
0x7a: {  	s26 =	sadd.s32 $0x658, s10  }
0x7b: {  	[tilespmem:s17], [sflag:$0x4] =	stream.indirect.gather [hbm4b:s3+s8], $0x40, s26, s8, $0xb8;
	[tilespmem:$0x1AC00] =	vst v63  }
0x7c: {  	s18 =	sadd.s32 $0x690, s10  }
0x7d: {  	[tilespmem:s19], [sflag:$0x4] =	stream.indirect.gather [hbm4b:s3+s8], $0x40, s18, s8, $0xb8;
	[tilespmem:$0x1AC00] =	vst v63  }
0x7e: {  	s22 =	sadd.s32 $0x6C8, s10  }
0x7f: {  	[tilespmem:s31], [sflag:$0x4] =	stream.indirect.gather [hbm4b:s3+s8], $0x40, s22, s8, $0xb8;
	[tilespmem:$0x1AC00] =	vst v63  }
0x80: {  	_ =	swait.ge [sflag:s21], $0x6400  }
0x81: {  	[sflag:s21] =	ssyncset.done $0x0  }
0x82: {  	s26 =	sadd.s32 $0x1C00, s30;
	s18 =	simm.s32 $0x8000;
	[sflag:s21] =	ssyncadd.s32 $0xFFFF9C00  }
0x83: {  	[hbm4b:s26+s4] =	stream.strided.scatter [tilespmem:s18], [sflag:$0x6], $0xC80, s5, s4, $0x38;
	[tilespmem:$0x1AC00] =	vst v63  }
0x84: {  	s22 =	sadd.s32 $0x1F80, s30;
	s26 =	simm.s32 $0x8C80  }
0x85: {  	[hbm4b:s22+s4] =	stream.strided.scatter [tilespmem:s26], [sflag:$0x6], $0xC80, s5, s4, $0x38;
	[tilespmem:$0x1AC00] =	vst v63  }
0x86: {  	s22 =	sadd.s32 $0x2300, s30;
	s26 =	simm.s32 $0x9900  }
0x87: {  	[hbm4b:s22+s4] =	stream.strided.scatter [tilespmem:s26], [sflag:$0x6], $0xC80, s5, s4, $0x38;
	[tilespmem:$0x1AC00] =	vst v63  }
0x88: {  	s22 =	sadd.s32 $0x2680, s30;
	s26 =	simm.s32 $0xA580  }
0x89: {  	[hbm4b:s22+s4] =	stream.strided.scatter [tilespmem:s26], [sflag:$0x6], $0xC80, s5, s4, $0x38;
	[tilespmem:$0x1AC00] =	vst v63  }
0x8a: {  	s22 =	sadd.s32 $0x2A00, s30;
	s26 =	simm.s32 $0xB200  }
0x8b: {  	[hbm4b:s22+s4] =	stream.strided.scatter [tilespmem:s26], [sflag:$0x6], $0xC80, s5, s4, $0x38;
	[tilespmem:$0x1AC00] =	vst v63  }
0x8c: {  	s22 =	sadd.s32 $0x2D80, s30;
	s26 =	simm.s32 $0xBE80  }
0x8d: {  	[hbm4b:s22+s4] =	stream.strided.scatter [tilespmem:s26], [sflag:$0x6], $0xC80, s5, s4, $0x38;
	[tilespmem:$0x1AC00] =	vst v63  }
0x8e: {  	p0 =	seq.s32 s1, $0x5400;
	s22 =	sadd.s32 $0x3100, s30;
	s26 =	simm.s32 $0xCB00  }
0x8f: {  	[hbm4b:s22+s4] =	stream.strided.scatter [tilespmem:s26], [sflag:$0x6], $0xC80, s5, s4, $0x38;
	[tilespmem:$0x1AC00] =	vst v63  }
0x90: {  	s14 =	simm.s32 @!p0 $0x5;
	s18 =	sadd.s32 $0x3480, s30;
	s22 =	simm.s32 $0xD780  }
0x91: {  	[hbm4b:s18+s4] =	stream.strided.scatter [tilespmem:s22], [sflag:$0x6], $0xC80, s5, s4, $0x38;
	[tilespmem:$0x1AC00] =	vst v63  }
0x92: {  	_ =	swait.ge @!p0 [sflag:s14], $0x6400  }
0x93: {  	[sflag:s14] =	ssyncset.done @!p0 $0x0  }
0x94: {  	[sflag:s14] =	ssyncadd.s32 @!p0 $0xFFFF9C00;
	s14 =	sshra.s32 @!p0 s1, $0x2  }
0x95: {  	s26 =	simm.s32 @!p0 $0x1C00;
	s18 =	simm.s32 @!p0 $0x32;
	s22 =	sadd.s32 @!p0 $0x700, s14  }
0x96: {  	[tilespmem:s26], [sflag:$0x1] =	stream.indirect.gather @!p0 [hbm4b:s3+s18], $0x40, s22, s18, $0xb8;
	[tilespmem:$0x1AC00] =	vst v63  }
0x97: {  	s22 =	sadd.s32 @!p0 $0x738, s14;
	s26 =	simm.s32 @!p0 $0x2880  }
0x98: {  	[tilespmem:s26], [sflag:$0x1] =	stream.indirect.gather @!p0 [hbm4b:s3+s18], $0x40, s22, s18, $0xb8;
	[tilespmem:$0x1AC00] =	vst v63  }
0x99: {  	s22 =	sadd.s32 @!p0 $0x770, s14;
	s26 =	simm.s32 @!p0 $0x3500  }
0x9a: {  	[tilespmem:s26], [sflag:$0x1] =	stream.indirect.gather @!p0 [hbm4b:s3+s18], $0x40, s22, s18, $0xb8;
	[tilespmem:$0x1AC00] =	vst v63  }
0x9b: {  	s22 =	sadd.s32 @!p0 $0x7A8, s14;
	s26 =	simm.s32 @!p0 $0x4180  }
0x9c: {  	[tilespmem:s26], [sflag:$0x1] =	stream.indirect.gather @!p0 [hbm4b:s3+s18], $0x40, s22, s18, $0xb8;
	[tilespmem:$0x1AC00] =	vst v63  }
0x9d: {  	s22 =	sadd.s32 @!p0 $0x7E0, s14;
	s26 =	simm.s32 @!p0 $0x4E00  }
0x9e: {  	[tilespmem:s26], [sflag:$0x1] =	stream.indirect.gather @!p0 [hbm4b:s3+s18], $0x40, s22, s18, $0xb8;
	[tilespmem:$0x1AC00] =	vst v63  }
0x9f: {  	s22 =	sadd.s32 @!p0 $0x818, s14;
	s26 =	simm.s32 @!p0 $0x5A80  }
0xa0: {  	[tilespmem:s26], [sflag:$0x1] =	stream.indirect.gather @!p0 [hbm4b:s3+s18], $0x40, s22, s18, $0xb8;
	[tilespmem:$0x1AC00] =	vst v63  }
0xa1: {  	s22 =	sadd.s32 @!p0 $0x850, s14;
	s26 =	simm.s32 @!p0 $0x6700  }
0xa2: {  	[tilespmem:s26], [sflag:$0x1] =	stream.indirect.gather @!p0 [hbm4b:s3+s18], $0x40, s22, s18, $0xb8;
	[tilespmem:$0x1AC00] =	vst v63  }
0xa3: {  	s22 =	sadd.s32 @!p0 $0x888, s14;
	s26 =	simm.s32 @!p0 $0x7380  }
0xa4: {  	[tilespmem:s26], [sflag:$0x1] =	stream.indirect.gather @!p0 [hbm4b:s3+s18], $0x40, s22, s18, $0xb8;
	[tilespmem:$0x1AC00] =	vst v63  }
0xa5: {  	_ =	swait.ge [sflag:s23], $0x6400  }
0xa6: {  	[sflag:s23] =	ssyncset.done $0x0  }
0xa7: {  	s22 =	sadd.s32 $0x3800, s30;
	s26 =	simm.s32 $0xE400;
	[sflag:s23] =	ssyncadd.s32 $0xFFFF9C00  }
0xa8: {  	[hbm4b:s22+s4] =	stream.strided.scatter [tilespmem:s26], [sflag:$0x7], $0xC80, s5, s4, $0x38;
	[tilespmem:$0x1AC00] =	vst v63  }
0xa9: {  	s26 =	sadd.s32 $0x3B80, s30  }
0xaa: {  	[hbm4b:s26+s4] =	stream.strided.scatter [tilespmem:s12], [sflag:$0x7], $0xC80, s5, s4, $0x38;
	[tilespmem:$0x1AC00] =	vst v63  }
0xab: {  	s26 =	sadd.s32 $0x3F00, s30  }
0xac: {  	[hbm4b:s26+s4] =	stream.strided.scatter [tilespmem:s20], [sflag:$0x7], $0xC80, s5, s4, $0x38;
	[tilespmem:$0x1AC00] =	vst v63  }
0xad: {  	s26 =	sadd.s32 $0x4280, s30  }
0xae: {  	[hbm4b:s26+s4] =	stream.strided.scatter [tilespmem:s29], [sflag:$0x7], $0xC80, s5, s4, $0x38;
	[tilespmem:$0x1AC00] =	vst v63  }
0xaf: {  	s26 =	sadd.s32 $0x4600, s30  }
0xb0: {  	[hbm4b:s26+s4] =	stream.strided.scatter [tilespmem:s16], [sflag:$0x7], $0xC80, s5, s4, $0x38;
	[tilespmem:$0x1AC00] =	vst v63  }
0xb1: {  	s26 =	sadd.s32 $0x4980, s30  }
0xb2: {  	[hbm4b:s26+s4] =	stream.strided.scatter [tilespmem:s0], [sflag:$0x7], $0xC80, s5, s4, $0x38;
	[tilespmem:$0x1AC00] =	vst v63  }
0xb3: {  	s26 =	sadd.s32 $0x4D00, s30  }
0xb4: {  	[hbm4b:s26+s4] =	stream.strided.scatter [tilespmem:s24], [sflag:$0x7], $0xC80, s5, s4, $0x38;
	[tilespmem:$0x1AC00] =	vst v63  }
0xb5: {  	s22 =	simm.s32 @!p0 $0x6;
	s26 =	sadd.s32 $0x5080, s30  }
0xb6: {  	[hbm4b:s26+s4] =	stream.strided.scatter [tilespmem:s6], [sflag:$0x7], $0xC80, s5, s4, $0x38;
	[tilespmem:$0x1AC00] =	vst v63  }
0xb7: {  	_ =	swait.ge @!p0 [sflag:s22], $0x6400  }
0xb8: {  	[sflag:s22] =	ssyncset.done @!p0 $0x0  }
0xb9: {  	s26 =	simm.s32 @!p0 $0x8000;
	[sflag:s22] =	ssyncadd.s32 @!p0 $0xFFFF9C00;
	s22 =	sadd.s32 @!p0 $0x8C0, s14  }
0xba: {  	[tilespmem:s26], [sflag:$0x2] =	stream.indirect.gather @!p0 [hbm4b:s3+s18], $0x40, s22, s18, $0xb8;
	[tilespmem:$0x1AC00] =	vst v63  }
0xbb: {  	s22 =	sadd.s32 @!p0 $0x8F8, s14;
	s26 =	simm.s32 @!p0 $0x8C80  }
0xbc: {  	[tilespmem:s26], [sflag:$0x2] =	stream.indirect.gather @!p0 [hbm4b:s3+s18], $0x40, s22, s18, $0xb8;
	[tilespmem:$0x1AC00] =	vst v63  }
0xbd: {  	s22 =	sadd.s32 @!p0 $0x930, s14;
	s26 =	simm.s32 @!p0 $0x9900  }
0xbe: {  	[tilespmem:s26], [sflag:$0x2] =	stream.indirect.gather @!p0 [hbm4b:s3+s18], $0x40, s22, s18, $0xb8;
	[tilespmem:$0x1AC00] =	vst v63  }
0xbf: {  	s22 =	sadd.s32 @!p0 $0x968, s14;
	s26 =	simm.s32 @!p0 $0xA580  }
0xc0: {  	[tilespmem:s26], [sflag:$0x2] =	stream.indirect.gather @!p0 [hbm4b:s3+s18], $0x40, s22, s18, $0xb8;
	[tilespmem:$0x1AC00] =	vst v63  }
0xc1: {  	s22 =	sadd.s32 @!p0 $0x9A0, s14;
	s26 =	simm.s32 @!p0 $0xB200  }
0xc2: {  	[tilespmem:s26], [sflag:$0x2] =	stream.indirect.gather @!p0 [hbm4b:s3+s18], $0x40, s22, s18, $0xb8;
	[tilespmem:$0x1AC00] =	vst v63  }
0xc3: {  	s22 =	sadd.s32 @!p0 $0x9D8, s14;
	s26 =	simm.s32 @!p0 $0xBE80  }
0xc4: {  	[tilespmem:s26], [sflag:$0x2] =	stream.indirect.gather @!p0 [hbm4b:s3+s18], $0x40, s22, s18, $0xb8;
	[tilespmem:$0x1AC00] =	vst v63  }
0xc5: {  	s22 =	sadd.s32 @!p0 $0xA10, s14;
	s26 =	simm.s32 @!p0 $0xCB00  }
0xc6: {  	[tilespmem:s26], [sflag:$0x2] =	stream.indirect.gather @!p0 [hbm4b:s3+s18], $0x40, s22, s18, $0xb8;
	[tilespmem:$0x1AC00] =	vst v63  }
0xc7: {  	s14 =	sadd.s32 @!p0 $0xA48, s14;
	s22 =	simm.s32 @!p0 $0xD780  }
0xc8: {  	[tilespmem:s22], [sflag:$0x2] =	stream.indirect.gather @!p0 [hbm4b:s3+s18], $0x40, s14, s18, $0xb8;
	[tilespmem:$0x1AC00] =	vst v63  }
0xc9: {  	_ =	swait.ge [sflag:s25], $0x6400  }
0xca: {  	[sflag:s25] =	ssyncset.done $0x0  }
0xcb: {  	s26 =	sadd.s32 $0x5400, s30;
	[sflag:s25] =	ssyncadd.s32 $0xFFFF9C00  }
0xcc: {  	[hbm4b:s26+s4] =	stream.strided.scatter [tilespmem:s7], [sflag:$0x8], $0xC80, s5, s4, $0x38;
	[tilespmem:$0x1AC00] =	vst v63  }
0xcd: {  	s18 =	sadd.s32 $0x5780, s30  }
0xce: {  	[hbm4b:s18+s4] =	stream.strided.scatter [tilespmem:s9], [sflag:$0x8], $0xC80, s5, s4, $0x38;
	[tilespmem:$0x1AC00] =	vst v63  }
0xcf: {  	s22 =	sadd.s32 $0x5B00, s30  }
0xd0: {  	[hbm4b:s22+s4] =	stream.strided.scatter [tilespmem:s11], [sflag:$0x8], $0xC80, s5, s4, $0x38;
	[tilespmem:$0x1AC00] =	vst v63  }
0xd1: {  	s26 =	sadd.s32 $0x5E80, s30  }
0xd2: {  	[hbm4b:s26+s4] =	stream.strided.scatter [tilespmem:s13], [sflag:$0x8], $0xC80, s5, s4, $0x38;
	[tilespmem:$0x1AC00] =	vst v63  }
0xd3: {  	s7 =	sadd.s32 $0x6200, s30  }
0xd4: {  	[hbm4b:s7+s4] =	stream.strided.scatter [tilespmem:s15], [sflag:$0x8], $0xC80, s5, s4, $0x38;
	[tilespmem:$0x1AC00] =	vst v63  }
0xd5: {  	s18 =	sadd.s32 $0x6580, s30  }
0xd6: {  	[hbm4b:s18+s4] =	stream.strided.scatter [tilespmem:s17], [sflag:$0x8], $0xC80, s5, s4, $0x38;
	[tilespmem:$0x1AC00] =	vst v63  }
.Ltmp2:
0xd7: {  	_ = 	snop;
	(pc) =	sbr.rel @p0 .LBB2_4-.Ltmp2, $4  }
0xd8: {  	s22 =	sadd.s32 $0x6900, s30  }
0xd9: {  	[hbm4b:s22+s4] =	stream.strided.scatter [tilespmem:s19], [sflag:$0x8], $0xC80, s5, s4, $0x38;
	[tilespmem:$0x1AC00] =	vst v63  }
0xda: {  	s26 =	sadd.s32 $0x6C80, s30  }
0xdb: {  	[hbm4b:s26+s4] =	stream.strided.scatter [tilespmem:s31], [sflag:$0x8], $0xC80, s5, s4, $0x38;
	[tilespmem:$0x1AC00] =	vst v63  }
0xdc: {  	_ =	swait.ge [sflag:s28], $0x6400  }
0xdd: {  	[sflag:s28] =	ssyncset.done $0x0  }
0xde: {  	s14 =	sadd.s32 $0xA80, s10;
	s7 =	simm.s32 $0xE400;
	[sflag:s28] =	ssyncadd.s32 $0xFFFF9C00  }
0xdf: {  	[tilespmem:s7], [sflag:$0x3] =	stream.indirect.gather [hbm4b:s3+s8], $0x40, s14, s8, $0xb8;
	[tilespmem:$0x1AC00] =	vst v63  }
0xe0: {  	s18 =	sadd.s32 $0xAB8, s10  }
0xe1: {  	[tilespmem:s12], [sflag:$0x3] =	stream.indirect.gather [hbm4b:s3+s8], $0x40, s18, s8, $0xb8;
	[tilespmem:$0x1AC00] =	vst v63  }
0xe2: {  	s22 =	sadd.s32 $0xAF0, s10  }
0xe3: {  	[tilespmem:s20], [sflag:$0x3] =	stream.indirect.gather [hbm4b:s3+s8], $0x40, s22, s8, $0xb8;
	[tilespmem:$0x1AC00] =	vst v63  }
0xe4: {  	s26 =	sadd.s32 $0xB28, s10  }
0xe5: {  	[tilespmem:s29], [sflag:$0x3] =	stream.indirect.gather [hbm4b:s3+s8], $0x40, s26, s8, $0xb8;
	[tilespmem:$0x1AC00] =	vst v63  }
0xe6: {  	s7 =	sadd.s32 $0xB60, s10  }
0xe7: {  	[tilespmem:s16], [sflag:$0x3] =	stream.indirect.gather [hbm4b:s3+s8], $0x40, s7, s8, $0xb8;
	[tilespmem:$0x1AC00] =	vst v63  }
0xe8: {  	s18 =	sadd.s32 $0xB98, s10  }
0xe9: {  	[tilespmem:s0], [sflag:$0x3] =	stream.indirect.gather [hbm4b:s3+s8], $0x40, s18, s8, $0xb8;
	[tilespmem:$0x1AC00] =	vst v63  }
.Ltmp3:
0xea: {  	_ = 	snop;
	(pc) =	sbr.rel .LBB2_2-.Ltmp3, $4  }
0xeb: {  	s22 =	sadd.s32 $0xBD0, s10  }
0xec: {  	[tilespmem:s24], [sflag:$0x3] =	stream.indirect.gather [hbm4b:s3+s8], $0x40, s22, s8, $0xb8;
	[tilespmem:$0x1AC00] =	vst v63  }
0xed: {  	s1 =	sadd.s32 $0x1C00, s1;
	s30 =	sadd.s32 $0x7000, s30;
	s26 =	sadd.s32 $0xC08, s10  }
0xee: {  	[tilespmem:s6], [sflag:$0x3] =	stream.indirect.gather [hbm4b:s3+s8], $0x40, s26, s8, $0xb8;
	[tilespmem:$0x1AC00] =	vst v63  }
.LBB2_5:
0xef: {  	_ =	sfence.sel $0x180000  }
0xf0: {  	[bflag:$0x0] =	sbarrier.arrive $0xFFFF  }
0xf1: {  	_ =	strace $0x90000047  }
0xf2: {  	s0 =	stileid.u32;
	[bflag:$0x2] =	sbarrier.arrive $0xFFFF  }
0xf3: {  	p0 =	sne.s32 s0, $0x0;
	s0 =	rddreg [dreg:$0x1]  }
0xf4: {  	s0 =	sadd.s32 @!p0 $0x100000, s0  }
0xf5: {  	[sflag:s0] =	ssyncadd.tile.s32 @!p0 $0x1;
	_ =	shalt  }
.Lfunc_end2:
_tile_overlayer_lowered:
.L_overlay_start_2:
0xf6: {  	(tag) =	ssettag $0x2  }
0xf7: {  	s0 =	rddreg [dreg:$0x0];
	s2 =	stileid.u32  }
0xf8: {  	s1 =	rddreg [dreg:$0x1];
	p0 =	sne.s32 s2, $0x0  }
0xf9: {  	s3 =	rddreg [dreg:$0x2];
	[bflag:$0x3] =	sbarrier.arrive $0xFFFF;
	s2 =	simm.s32 @!p0 $0x1C09  }
0xfa: {  	[timem:s3], [sflag:s2] =	dma.local @!p0 [hbm:s0], s1  }
0xfb: {  	s0 =	simm.s32 @!p0 $0x9  }
0xfc: {  	_ =	swait.ge @!p0 [sflag:s0], s1  }
0xfd: {  	s1 =	ssub.s32 @!p0 $0x0, s1;
	[sflag:s0] =	ssyncset.done @!p0 $0x0  }
0xfe: {  	[sflag:s0] =	ssyncadd.s32 @!p0 s1  }
0xff: {  	[bflag:$0x3] =	sbarrier.arrive $0xFFFF  }
0x100: {  	_ =	shalt  }

// kernel: sparse-core-data-format-call.cloned.1.call-start
scs
called_computation_lowered:
.L_overlay_start_0:
0x0: {  	s2 =	sld [smem:$0x3FD9]  }
0x1: {  	s3 =	sld [smem:$0x3FFE];
	_ =	sdelay $0x1  }
0x2: {  	s1 =	srdreg.scid  }
0x3: {  	s0 =	sand.u32 $0x1, s1  }
0x4: {  	s18 =	sshll.u32 s0, $0xA;
	s2 =	sadd.s32 s3, s2  }
0x5: {  	s2 =	sadd.s32 s2, s18  }
0x6: {  	[smem:$0x3FC6] =	sst s2  }
0x7: {  	_ = 	snop  }
0x8: {  	s2 =	sld [smem:$0x3FD0];
	(tm) =	ssettm $0x1  }
0x9: {  	s19 =	sld [smem:$0x3FFB];
	_ =	sdelay $0x3  }
0xa: {  	_ =	strace s19  }
0xb: {  	s3 =	sld [smem:$0x3FFC];
	_ =	sdelay $0x3  }
0xc: {  	_ =	strace s3  }
0xd: {  	s3 =	sld [smem:$0x3FFD];
	_ =	sdelay $0x3  }
0xe: {  	_ =	strace s3  }
0xf: {  	_ =	strace $0x8FFFFFFF  }
0x10: {  	s20 =	sld [smem:$0x3FDB];
	_ =	sdelay $0x1  }
0x11: {  	s4 =	simm.s32 $_scs_section_size  }
0x12: {  	s5 =	simm.s32 $_size__tile_overlayer_lowered;
	s6 =	simm.s32 $_tile_overlayer_lowered  }
0x13: {  	s23 =	simm.s32 $0x1BFF;
	s22 =	sshll.u32 s6, $0x1;
	s3 =	sadd.s32 s4, s20  }
0x14: {  	s7 =	simm.s32 $0x0;
	s21 =	sshll.u32 s5, $0x1;
	s5 =	sadd.s32 s22, s3  }
0x15: {  	[timem:s7], [sflag:s23] =	dma.local [hbm:s5], s21  }
0x16: {  	_ =	swait.ge [sflag:s23], s21  }
0x17: {  	s4 =	ssub.s32 $0x0, s21;
	[sflag:s23] =	ssyncset.done $0x0  }
0x18: {  	[sflag:s23] =	ssyncadd.s32 s4;
	_ =	sdelay $0x1  }
0x19: {  	s24 =	simm.s32 $0x1B8B  }
0x1a: {  	_ =	swait.ge [sflag:s24], $0x1  }
0x1b: {  	[sflag:s24] =	ssyncset.done $0x0  }
0x1c: {  	s26 =	simm.s32 $0x1B8E;
	s25 =	sld [smem:$0x3FFE];
	[sflag:s24] =	ssyncadd.s32 $0xFFFFFFFF  }
0x1d: {  	s27 =	simm.s32 $execute0_lowered;
	[smem:$0x3FD2] =	sst s26  }
0x1e: {  	s5 =	sshll.u32 s27, $0x1;
	_ =	strace $0x80000049;
	[dreg:$0x1] =	wrdreg $0xFFFFFFFF  }
0x1f: {  	s28 =	simm.s32 $_size_execute0_lowered;
	s3 =	sadd.s32 s3, s5;
	[dreg:$0x0] =	wrdreg $0x0  }
0x20: {  	s5 =	sshll.u32 s28, $0x1;
	[dreg:$0x2] =	wrdreg s3  }
0x21: {  	[dreg:$0x3] =	wrdreg s5  }
0x22: {  	[dreg:$0x4] =	wrdreg $0xC0  }
0x23: {  	_ =	task [dreg:s7], $0x5FFFF  }
0x24: {  	[dreg:$0x1] =	wrdreg $0xFFFFFFFF  }
0x25: {  	[dreg:$0x0] =	wrdreg $0x60  }
0x26: {  	[dreg:$0x2] =	wrdreg s25  }
0x27: {  	[dreg:$0x3] =	wrdreg s2  }
0x28: {  	[dreg:$0x4] =	wrdreg $0x9  }
0x29: {  	_ =	task.clear_ibuf [dreg:s7], $0x5FFFF;
	_ =	strace $0x90000049  }
0x2a: {  	s29 =	simm.s32 $0x9;
	_ =	strace $0x8000004B  }
0x2b: {  	_ =	swait.ge [sflag:s29], $0x1  }
0x2c: {  	[sflag:s29] =	ssyncadd.s32 $0xFFFFFFFF  }
0x2d: {  	_ =	strace $0x9000004B  }
0x2e: {  	_ =	sfence  }
0x2f: {  	s30 =	sld [smem:$0x0];
	_ =	sdelay $0x2  }
0x30: {  	s31 =	sshll.u32 s1, $0xD;
	s1 =	sshrl.u32 s1, $0x2  }
0x31: {  	s3 =	sand.u32 $0x4000, s31;
	s1 =	sadd.s32 s1, s30  }
0x32: {  	s0 =	sor.u32 s3, s0;
	s1 =	sshll.u32 s1, $0x11  }
0x33: {  	s0 =	sor.u32 s1, s0  }
0x34: {  	s0 =	sadd.s32 $0x8F2B, s0  }
0x35: {  	[sflag:s0] =	ssyncadd.remote.s32 $0x1  }
0x36: {  	_ =	sfence.sel $0xFFFF  }
0x37: {  	[dreg:$0x0] =	wrdreg $0xFFFFFFFF;
	(pc) =	sbr.abs _section_cstart, $3  }
0x38: {  	[dreg:$0x1] =	wrdreg $0xFFFFFFFF  }
0x39: {  	_ =	task.clear_ibuf [dreg:s7], $0x2FFFF;
	_ =	strace $0x9FFFFFFF  }
0x3a: {  	(tm) =	ssettm $0x7FFFFFFF  }
0x3b: {  	_ =	shalt  }
tec
execute0_lowered:
.L_overlay_start_1:
0x0: {  	(tag) =	ssettag $0x1  }
0x1: {  	s0 =	srdreg.scid  }
0x2: {  	s1 =	sshll.u32 s0, $0x4  }
0x3: {  	s0 =	stileid.u32;
	s1 =	sand.u32 $0x10, s1  }
0x4: {  	s1 =	sor.u32 s0, s1  }
0x5: {  	s6 =	rddreg [dreg:$0x0];
	s4 =	simm.s32 $0x1;
	s2 =	sshll.u32 s1, $0x7  }
0x6: {  	s7 =	simm.s32 $0x2;
	s12 =	simm.s32 $0x0;
	s1 =	ssub.s32 $0x1000, s2  }
0x7: {  	s8 =	simm.s32 $0x8000;
	s13 =	simm.s32 $0x0;
	s3 =	sand.u32 $0xF80, s1  }
0x8: {  	s9 =	simm.s32 $0x0;
	s5 =	sshrl.u32 s1, $0xC;
	p0 =	sne.s32 s3, $0x0  }
.Ltmp0:
0x9: {  	s1 =	rddreg [dreg:$0x2];
	s4 =	simm.s32 @!p0 $0x0;
	(pc) =	sbr.rel .LBB1_1-.Ltmp0, $4  }
0xa: {  	s11 =	simm.s32 $0x0;
	s3 =	rddreg [dreg:$0x1];
	s5 =	sadd.s32 s4, s5  }
0xb: {  	_ =	strace $0x8000004A;
	s4 =	simm.s32 $0x1;
	s5 =	smul.u32 $0x32, s5  }
0xc: {  	s6 =	sadd.s32 $0xCAE00, s6;
	s10 =	smov.u32 s2;
	[sflag:s4] =	ssyncpa.u1 $0x0  }
0xd: {  	p0 =	por $0x0, $0x0;
	[sflag:s7] =	ssyncpa.u1 $0x0;
	s7 =	sor.u32 $0x1, s5  }
.LBB1_4:
0xe: {  	s16 =	sshll.u32 s13, $0x3;
	s17 =	sand.u32 $0x78, s13  }
0xf: {  	s30 =	sand.u32 $0x7E00, s13;
	s12 =	sshll.u32 s12, $0xF;
	s16 =	sand.u32 $0xC00, s16  }
0x10: {  	[tilespmem:s15+$0x810 ss:$0x81] =	vst.msk $0xffff, v2;
	s31 =	sand.u32 $0x7, s13;
	s16 =	sor.u32 s17, s16;
	s17 =	sadd.s32 s3, s30  }
0x11: {  	[tilespmem:s15+$0x1020 ss:$0x81] =	vst.msk $0xffff, v0;
	s13 =	sshll.u32 s31, $0x12;
	s12 =	sadd.s32 s12, s17;
	s16 =	sshrl.u32 s16, $0x3  }
0x12: {  	[tilespmem:s15+$0x0 ss:$0x81] =	vst.msk $0xffff, v1;
	s13 =	sor.u32 $0x400, s13;
	s12 =	sadd.s32 s16, s12  }
0x13: {  	[hbm4b:s12+s13] =	stream.strided.scatter [tilespmem:s14], [sflag:$0x2], $0x2000, s8, s13, $0x20;
	[tilespmem:$0x8080] =	vst v63  }
.LBB1_5:
0x14: {  	s14 =	sadd.s32 $0x1, s9  }
0x15: {  	s12 =	sadd.s32 $0x1000, s10;
	s16 =	smov.u32 s10;
	p2 =	sgt.s32 s14, $0x31  }
0x16: {  	s16 =	smov.u32 @p2 s12  }
0x17: {  	s14 =	simm.s32 @p2 $0x0;
	p2 =	sgt.s32 s16, $0xFFF  }
0x18: {  	s16 =	smov.u32 @p2 s2;
	p2 =	sne.s32 s11, s7  }
.Ltmp1:
0x19: {  	p1 =	slt.u32 s11, $0x2;
	(pc) =	sbr.rel @!p2 .LBB1_6-.Ltmp1, $4  }
0x1a: {  	s15 =	simm.s32 @!p1 $0x2  }
0x1b: {  	s13 =	smov.u32 s10;
	p0 =	por !p0, !p0;
	_ =	swait.ge @!p1 [sflag:s15], $0x2000  }
0x1c: {  	s12 =	smov.u32 s9;
	[sflag:s15] =	ssyncset.done @!p1 $0x0;
	s9 =	smov.u32 s14  }
0x1d: {  	s11 =	sadd.s32 $0x1, s11;
	[sflag:s15] =	ssyncadd.s32 @!p1 $0xFFFFE000;
	s10 =	smov.u32 s16  }
.LBB1_1:
0x1e: {  	p1 =	sge.u32 s11, s5  }
0x1f: {  	s14 =	sand.u32 @!p1 $0x1FFFFFF, s9  }
0x20: {  	s15 =	smulhi.u32 @!p1 $0x4924925, s14;
	_ =	sdelay $0x1  }
0x21: {  	s15 =	smul.u32 @!p1 $0x38, s15  }
0x22: {  	s16 =	sxor.u32 @!p1 $0xFFFFFFFF, s11;
	s17 =	smul.u32 @!p1 $0x380, s10  }
0x23: {  	s31 =	sadd.s32 $0xFFFFFFFF, s11;
	s16 =	sshll.u32 @!p1 s16, $0xD;
	s14 =	ssub.s32 @!p1 s14, s15  }
0x24: {  	s15 =	sand.u32 @!p1 $0x2000, s16;
	s16 =	sadd.s32 @!p1 s6, s17;
	s14 =	sshll.u32 @!p1 s14, $0x4  }
0x25: {  	s17 =	simm.s32 @!p1 $0x1C00;
	s14 =	sadd.s32 @!p1 s14, s16;
	s16 =	simm.s32 @!p1 $0x40  }
0x26: {  	[tilespmem:s15], [sflag:$0x1] =	stream.strided.gather @!p1 [hbm4b:s14+s16], $0x2000, s17, s16, $0x38;
	[tilespmem:$0x8080] =	vst v63  }
0x27: {  	p1 =	sge.u32 s31, s5  }
.Ltmp2:
0x28: {  	_ = 	snop;
	(pc) =	sbr.rel @p1 .LBB1_5-.Ltmp2, $1  }
0x29: {  	_ =	sdelay $0x3  }
0x2a: {  	s14 =	simm.s32 $0x1  }
0x2b: {  	_ =	swait.ge [sflag:s4], $0x2000;
	s14 =	simm.s32 @!p0 $0x0  }
0x2c: {  	[sflag:s4] =	ssyncset.done $0x0;
	s15 =	sshll.u32 s14, $0xD  }
0x2d: {  	[sflag:s4] =	ssyncadd.s32 $0xFFFFE000;
	s18 =	sor.u32 $0x20, s15  }
0x2e: {  	s14 =	smul.u32 $0x8100, s14;
	v3 =	vld [tilespmem:s18+$0x10]  }
0x2f: {  	s30 =	sand.u32 $0x1, s11;
	v2 =	vld [tilespmem:s18+$0xFFFFFFF0]  }
0x30: {  	s15 =	smul.u32 $0x8100, s30;
	s14 =	sshrl.u32 s14, $0x2;
	v0 =	vld [tilespmem:s18+$0x0]  }
0x31: {  	v1 =	vld [tilespmem:s18+$0xFFFFFFE0];
	s16 =	sor.u32 $0x4000, s14  }
0x32: {  	s31 =	sshrl.u32 s15, $0x2;
	s15 =	sadd.s32 $0x0, s16  }
0x33: {  	s17 =	simm.s32 $0x4;
	s18 =	sadd.s32 $0x40, s18;
	s14 =	sor.u32 $0x4000, s31;
	[tilespmem:s15+$0x1830 ss:$0x81] =	vst.msk $0xffff, v3  }
.LBB1_3:
0x34: {  	v3 =	vld [tilespmem:s18+$0x10];
	p1 =	sne.s32 s17, $0x1FC;
	[tilespmem:s15+$0x810 ss:$0x81] =	vst.msk $0xffff, v2;
	s19 =	smov.u32 s17;
	s17 =	sadd.s32 $0x4, s17  }
.Ltmp3:
0x35: {  	v2 =	vld [tilespmem:s18+$0xFFFFFFF0];
	[tilespmem:s15+$0x1020 ss:$0x81] =	vst.msk $0xffff, v0;
	(pc) =	sbr.rel @p1 .LBB1_3-.Ltmp3, $4  }
0x36: {  	v0 =	vld [tilespmem:s18+$0x0];
	[tilespmem:s15+$0x0 ss:$0x81] =	vst.msk $0xffff, v1  }
0x37: {  	s15 =	sshra.s32 s19, $0x2;
	v1 =	vld [tilespmem:s18+$0xFFFFFFE0]  }
0x38: {  	s15 =	sadd.s32 s15, s16  }
0x39: {  	s18 =	sadd.s32 $0x40, s18;
	[tilespmem:s15+$0x1830 ss:$0x81] =	vst.msk $0xffff, v3  }
.Ltmp4:
0x3a: {  	_ = 	snop;
	(pc) =	sbr.rel .LBB1_4-.Ltmp4, $1  }
0x3b: {  	_ =	sdelay $0x3  }
.LBB1_6:
0x3c: {  	_ =	sfence.sel $0x180000  }
0x3d: {  	s2 =	simm.s32 $0x1;
	[bflag:$0x0] =	sbarrier.arrive $0xFFFF  }
0x3e: {  	s31 =	simm.s32 $0x2;
	[sflag:s2] =	ssyncpa.u1 $0x1  }
0x3f: {  	[sflag:s31] =	ssyncpa.u1 $0x1  }
0x40: {  	p0 =	sne.s32 s0, $0x0;
	_ =	strace $0x9000004A  }
0x41: {  	s0 =	sadd.s32 @!p0 $0x100000, s1;
	[bflag:$0x2] =	sbarrier.arrive $0xFFFF  }
0x42: {  	[sflag:s0] =	ssyncadd.tile.s32 @!p0 $0x1;
	_ =	shalt  }
.Lfunc_end1:
_tile_overlayer_lowered:
.L_overlay_start_2:
0x43: {  	(tag) =	ssettag $0x2  }
0x44: {  	s0 =	rddreg [dreg:$0x0];
	s2 =	stileid.u32  }
0x45: {  	s1 =	rddreg [dreg:$0x1];
	p0 =	sne.s32 s2, $0x0  }
0x46: {  	s3 =	rddreg [dreg:$0x2];
	[bflag:$0x3] =	sbarrier.arrive $0xFFFF;
	s2 =	simm.s32 @!p0 $0x1C01  }
0x47: {  	[timem:s3], [sflag:s2] =	dma.local @!p0 [hbm:s0], s1  }
0x48: {  	s0 =	simm.s32 @!p0 $0x1  }
0x49: {  	_ =	swait.ge @!p0 [sflag:s0], s1  }
0x4a: {  	s1 =	ssub.s32 @!p0 $0x0, s1;
	[sflag:s0] =	ssyncset.done @!p0 $0x0  }
0x4b: {  	[sflag:s0] =	ssyncadd.s32 @!p0 s1  }
0x4c: {  	[bflag:$0x3] =	sbarrier.arrive $0xFFFF  }
0x4d: {  	_ =	shalt  }

</sc_bundles>
